<compile_context>
chip_gen: v7x
topology: tpu7x:2x2x1
jax: 0.10.2.dev20260603
libtpu: 0.0.44.dev20260713+nightly
codegen_flags: <defaults>
</compile_context>

<pallas_src>
import jax
import jax.numpy as jnp
from jax import lax
from jax.experimental import pallas as pl
from jax.experimental.pallas import tpu as pltpu
from jax.experimental.pallas import tpu_sc as plsc

EPS = 1e-5
LANES = 16
NC = 2
NS = 16
NW = NC * NS
CHUNK = 128


def _tec_body(word_hbm, src_hbm, pos_hbm, gamma_hbm, beta_hbm, out_hbm,
              idx_v, rows_v, out_v, pos_v, gb_v, sem):
    n_chunks, chunk_r = idx_v.shape
    rpw, hidden = rows_v.shape
    ppw = pos_v.shape[0]
    batch = rpw // ppw
    nvec = hidden // LANES

    wid = lax.axis_index("s") * NC + lax.axis_index("c")

    pltpu.sync_copy(src_hbm.at[pl.ds(wid * n_chunks, n_chunks)], idx_v)
    copies = [
        pltpu.async_copy(word_hbm.at[idx_v.at[j]],
                         rows_v.at[pl.ds(j * chunk_r, chunk_r)], sem)
        for j in range(n_chunks)
    ]
    pltpu.sync_copy(pos_hbm.at[pl.ds(wid * ppw, ppw)], pos_v)
    pltpu.sync_copy(gamma_hbm, gb_v.at[0])
    pltpu.sync_copy(beta_hbm, gb_v.at[1])
    for c in copies:
        c.wait()

    g = [gb_v[0, pl.ds(LANES * i, LANES)] for i in range(nvec)]
    bt = [gb_v[1, pl.ds(LANES * i, LANES)] for i in range(nvec)]
    inv_h = jnp.float32(1.0 / hidden)
    lane = lax.iota(jnp.int32, LANES)
    perms = [lane ^ (1 << k) for k in range(4)]
    dnums = lax.GatherDimensionNumbers(
        offset_dims=(), collapsed_slice_dims=(0,), start_index_map=(0,))

    def allsum(v):
        for p in perms:
            v = v + lax.gather(v, p[:, None], dimension_numbers=dnums,
                               slice_sizes=(1,),
                               mode=lax.GatherScatterMode.PROMISE_IN_BOUNDS)
        return v

    log2b = batch.bit_length() - 1 if batch & (batch - 1) == 0 else None

    @plsc.parallel_loop(0, rpw, unroll=2)
    def _row_loop(r):
        p = (r >> log2b) if log2b is not None else lax.div(r, batch)
        x = [rows_v[r, pl.ds(LANES * i, LANES)]
             + pos_v[p, pl.ds(LANES * i, LANES)] for i in range(nvec)]
        t = x
        while len(t) > 1:
            t = [t[2 * i] + t[2 * i + 1] for i in range(len(t) // 2)]
        sq = [xi * xi for xi in x]
        while len(sq) > 1:
            sq = [sq[2 * i] + sq[2 * i + 1] for i in range(len(sq) // 2)]
        mu_v = allsum(t[0]) * inv_h
        var_v = allsum(sq[0]) * inv_h - mu_v * mu_v
        vv = var_v + EPS
        ii = lax.bitcast_convert_type(vv, jnp.int32)
        y = lax.bitcast_convert_type(
            jnp.int32(0x5F3759DF) - (ii >> 1), jnp.float32)
        for _newton in range(2):
            y = y * (1.5 - 0.5 * vv * y * y)
        for i in range(nvec):
            out_v[r, pl.ds(LANES * i, LANES)] = (
                (x[i] - mu_v) * y * g[i] + bt[i])

    pltpu.sync_copy(out_v, out_hbm.at[pl.ds(wid * rpw, rpw)])


def kernel(src, word_table, pos_table, gamma, beta):
    S, B = src.shape
    H = word_table.shape[1]
    rows = S * B
    rpw = rows // NW
    ppw = S // NW

    src2d = src.reshape(NW * 2, rpw // 2)

    mesh = plsc.VectorSubcoreMesh(core_axis_name="c", subcore_axis_name="s")
    k = pl.kernel(
        _tec_body,
        mesh=mesh,
        out_type=jax.ShapeDtypeStruct((rows, H), jnp.float32),
        compiler_params=pltpu.CompilerParams(skip_device_barrier=True),
        scratch_types=[
            pltpu.VMEM((2, rpw // 2), jnp.int32),
            pltpu.VMEM((rpw, H), jnp.float32),
            pltpu.VMEM((rpw, H), jnp.float32),
            pltpu.VMEM((ppw, H), jnp.float32),
            pltpu.VMEM((2, H), jnp.float32),
            pltpu.SemaphoreType.DMA,
        ],
    )
    out = k(word_table, src2d, pos_table, gamma, beta)
    return out.reshape(S, B, H)

# --- scband reference (transcript-rebuilt; emitter-appended) ---
"""Pipeline reference for scband-transformer-embeddings-36404142801136 (READ-ONLY COPY).

The authoritative reference and input builder live on the scoring server;
editing this copy changes nothing except your own understanding.
"""

import jax, jax.numpy as jnp
import numpy as np

VOCAB = 100000
HIDDEN = 128
MAX_LEN = 2048
SEQ = 2048
BATCH = 4
EPS = 1e-5


def setup_inputs(seed: int = 0) -> dict:
    key = jax.random.key(seed)
    k1, k2, k3 = jax.random.split(key, 3)
    src = jax.random.randint(k1, (SEQ, BATCH), 0, VOCAB, dtype=jnp.int32)
    word_table = jax.random.normal(k2, (VOCAB, HIDDEN), dtype=jnp.float32) * 0.02
    word_table = word_table.at[0].set(0.0)  # padding_idx=0 row zeroed, matching nn.Embedding
    pos_table = jax.random.normal(k3, (MAX_LEN, HIDDEN), dtype=jnp.float32) * 0.02
    pos_table = pos_table.at[0].set(0.0)  # padding_idx=0 on learned positional embedding
    gamma = jnp.ones((HIDDEN,), dtype=jnp.float32)
    beta = jnp.zeros((HIDDEN,), dtype=jnp.float32)
    return {"src": src, "word_table": word_table, "pos_table": pos_table, "gamma": gamma, "beta": beta}


def reference(src, word_table, pos_table, gamma, beta):
    S, B = src.shape
    # word embedding lookup (gather)
    inputs_embeds = jnp.take(word_table, src, axis=0)  # [S, B, H]
    # learned positional embedding: position_ids = arange(S).unsqueeze(1).expand(S, B)
    position_ids = jnp.broadcast_to(jnp.arange(S, dtype=jnp.int32)[:, None], (S, B))
    position_embeddings = jnp.take(pos_table, position_ids, axis=0)  # [S, B, H]
    embeddings = inputs_embeds + position_embeddings
    # LayerNorm over last dim (biased variance, as torch.nn.LayerNorm)
    mu = jnp.mean(embeddings, axis=-1, keepdims=True)
    var = jnp.var(embeddings, axis=-1, keepdims=True)
    out = (embeddings - mu) / jnp.sqrt(var + EPS) * gamma + beta
    # dropout p=0.0 -> identity
    return out

if __name__ == "__main__":
    import jax
    _d = setup_inputs()
    print(jax.jit(kernel)(*tuple(_d.values())))

</pallas_src>

<mosaic_0001>
#map = affine_map<(d0, d1) -> (0, 0)>
#map1 = affine_map<(d0, d1) -> (0)>
module attributes {stable_mosaic.version = 14 : i64} {
  func.func @_tec_body(%arg0: i32, %arg1: i32, %arg2: memref<100000x128xf32, #tpu.memory_space<hbm>>, %arg3: memref<64x128xi32, #tpu.memory_space<hbm>>, %arg4: memref<2048x128xf32, #tpu.memory_space<hbm>>, %arg5: memref<128xf32, #tpu.memory_space<hbm>>, %arg6: memref<128xf32, #tpu.memory_space<hbm>>, %arg7: memref<8192x128xf32, #tpu.memory_space<hbm>>, %arg8: memref<2x128xi32, #tpu.memory_space<vmem>>, %arg9: memref<256x128xf32, #tpu.memory_space<vmem>>, %arg10: memref<256x128xf32, #tpu.memory_space<vmem>>, %arg11: memref<64x128xf32, #tpu.memory_space<vmem>>, %arg12: memref<2x128xf32, #tpu.memory_space<vmem>>, %arg13: memref<!tpu.dma_semaphore, #tpu.memory_space<semaphore_mem>>) attributes {dimension_semantics = [#tpu.dimension_semantics<core_parallel>, #tpu.dimension_semantics<subcore_parallel>], iteration_bounds = array<i64: 2, 16>, scalar_prefetch = 0 : i64, scratch_operands = 6 : i64, tpu.core_type = #tpu.core_type<sc_vector_subcore>, window_params = [{transform_indices = #map}, {transform_indices = #map}, {transform_indices = #map}, {transform_indices = #map1}, {transform_indices = #map1}, {transform_indices = #map}]} {
    %mul3A = arith.constant 2 : i32
    %mul3A_0 = arith.muli %arg1, %mul3A : i32
    %add3A = arith.addi %mul3A_0, %arg0 : i32
    %mul3A_1 = arith.constant 2 : i32
    %mul3A_2 = arith.muli %add3A, %mul3A_1 : i32
    "tpu.region"() ({
      %run_scoped3A_139 = tpu.sem_alloc : memref<!tpu.dma_semaphore, #tpu.memory_space<semaphore_mem>>
      %dma_start3A_140 = arith.constant 0 : i32
      %dma_start3A_141 = tpu.memref_slice %arg3[%mul3A_2, %dma_start3A_140] : memref<64x128xi32, #tpu.memory_space<hbm>> -> memref<2x128xi32, #tpu.memory_space<hbm>>
      %dma_start3A_142 = arith.constant 0 : i32
      %dma_start3A_143 = tpu.memref_slice %arg3[%mul3A_2, %dma_start3A_142] : memref<64x128xi32, #tpu.memory_space<hbm>> -> memref<2x128xi32, #tpu.memory_space<hbm>>
      tpu.enqueue_dma source(%dma_start3A_143 : memref<2x128xi32, #tpu.memory_space<hbm>>) target(%arg8 : memref<2x128xi32, #tpu.memory_space<vmem>>) target_semaphore(%run_scoped3A_139 : memref<!tpu.dma_semaphore, #tpu.memory_space<semaphore_mem>>)
      %dma_wait3A_144 = arith.constant 0 : i32
      %dma_wait3A_145 = tpu.memref_slice %arg3[%mul3A_2, %dma_wait3A_144] : memref<64x128xi32, #tpu.memory_space<hbm>> -> memref<2x128xi32, #tpu.memory_space<hbm>>
      %dma_wait3A_146 = arith.constant 0 : i32
      %dma_wait3A_147 = tpu.memref_slice %arg3[%mul3A_2, %dma_wait3A_146] : memref<64x128xi32, #tpu.memory_space<hbm>> -> memref<2x128xi32, #tpu.memory_space<hbm>>
      tpu.wait_dma2 semaphore(%run_scoped3A_139 : memref<!tpu.dma_semaphore, #tpu.memory_space<semaphore_mem>>) src(%dma_wait3A_147 : memref<2x128xi32, #tpu.memory_space<hbm>>) dst(%arg8 : memref<2x128xi32, #tpu.memory_space<vmem>>)
      tpu.yield
    }) : () -> ()
    %dma_start3A = arith.constant 0 : i32
    %dma_start3A_3 = arith.constant 0 : i32
    %dma_start3A_4 = arith.constant 0 : i32
    %dma_start3A_5 = tpu.memref_slice %arg9[%dma_start3A_3, %dma_start3A_4] : memref<256x128xf32, #tpu.memory_space<vmem>> -> memref<128x128xf32, #tpu.memory_space<vmem>>
    %dma_start3A_6 = arith.constant 0 : i32
    %dma_start3A_7 = tpu.memref_slice %arg8[%dma_start3A, %dma_start3A_6] : memref<2x128xi32, #tpu.memory_space<vmem>> -> memref<1x128xi32, #tpu.memory_space<vmem>>
    %dma_start3A_8 = tpu.memref_squeeze %dma_start3A_7 : memref<1x128xi32, #tpu.memory_space<vmem>> -> memref<128xi32, #tpu.memory_space<vmem>>
    %dma_start3A_9 = arith.constant 0 : i32
    %dma_start3A_10 = arith.constant 0 : i32
    %dma_start3A_11 = tpu.memref_slice %arg2[%dma_start3A_9, %dma_start3A_10] : memref<100000x128xf32, #tpu.memory_space<hbm>> -> memref<100000x128xf32, #tpu.memory_space<hbm>>
    tpu.enqueue_indirect_dma source(%dma_start3A_11 : memref<100000x128xf32, #tpu.memory_space<hbm>>) target(%dma_start3A_5 : memref<128x128xf32, #tpu.memory_space<vmem>>) offsets(%dma_start3A_8 : memref<128xi32, #tpu.memory_space<vmem>>) semaphore(%arg13 : memref<!tpu.dma_semaphore, #tpu.memory_space<semaphore_mem>>)
    %dma_start3A_12 = arith.constant 1 : i32
    %dma_start3A_13 = arith.constant 128 : i32
    %dma_start3A_14 = arith.constant 0 : i32
    %dma_start3A_15 = tpu.memref_slice %arg9[%dma_start3A_13, %dma_start3A_14] : memref<256x128xf32, #tpu.memory_space<vmem>> -> memref<128x128xf32, #tpu.memory_space<vmem>>
    %dma_start3A_16 = arith.constant 0 : i32
    %dma_start3A_17 = tpu.memref_slice %arg8[%dma_start3A_12, %dma_start3A_16] : memref<2x128xi32, #tpu.memory_space<vmem>> -> memref<1x128xi32, #tpu.memory_space<vmem>>
    %dma_start3A_18 = tpu.memref_squeeze %dma_start3A_17 : memref<1x128xi32, #tpu.memory_space<vmem>> -> memref<128xi32, #tpu.memory_space<vmem>>
    %dma_start3A_19 = arith.constant 0 : i32
    %dma_start3A_20 = arith.constant 0 : i32
    %dma_start3A_21 = tpu.memref_slice %arg2[%dma_start3A_19, %dma_start3A_20] : memref<100000x128xf32, #tpu.memory_space<hbm>> -> memref<100000x128xf32, #tpu.memory_space<hbm>>
    tpu.enqueue_indirect_dma source(%dma_start3A_21 : memref<100000x128xf32, #tpu.memory_space<hbm>>) target(%dma_start3A_15 : memref<128x128xf32, #tpu.memory_space<vmem>>) offsets(%dma_start3A_18 : memref<128xi32, #tpu.memory_space<vmem>>) semaphore(%arg13 : memref<!tpu.dma_semaphore, #tpu.memory_space<semaphore_mem>>)
    %mul3A_22 = arith.constant 64 : i32
    %mul3A_23 = arith.muli %add3A, %mul3A_22 : i32
    "tpu.region"() ({
      %run_scoped3A_139 = tpu.sem_alloc : memref<!tpu.dma_semaphore, #tpu.memory_space<semaphore_mem>>
      %dma_start3A_140 = arith.constant 0 : i32
      %dma_start3A_141 = tpu.memref_slice %arg4[%mul3A_23, %dma_start3A_140] : memref<2048x128xf32, #tpu.memory_space<hbm>> -> memref<64x128xf32, #tpu.memory_space<hbm>>
      %dma_start3A_142 = arith.constant 0 : i32
      %dma_start3A_143 = tpu.memref_slice %arg4[%mul3A_23, %dma_start3A_142] : memref<2048x128xf32, #tpu.memory_space<hbm>> -> memref<64x128xf32, #tpu.memory_space<hbm>>
      tpu.enqueue_dma source(%dma_start3A_143 : memref<64x128xf32, #tpu.memory_space<hbm>>) target(%arg11 : memref<64x128xf32, #tpu.memory_space<vmem>>) target_semaphore(%run_scoped3A_139 : memref<!tpu.dma_semaphore, #tpu.memory_space<semaphore_mem>>)
      %dma_wait3A_144 = arith.constant 0 : i32
      %dma_wait3A_145 = tpu.memref_slice %arg4[%mul3A_23, %dma_wait3A_144] : memref<2048x128xf32, #tpu.memory_space<hbm>> -> memref<64x128xf32, #tpu.memory_space<hbm>>
      %dma_wait3A_146 = arith.constant 0 : i32
      %dma_wait3A_147 = tpu.memref_slice %arg4[%mul3A_23, %dma_wait3A_146] : memref<2048x128xf32, #tpu.memory_space<hbm>> -> memref<64x128xf32, #tpu.memory_space<hbm>>
      tpu.wait_dma2 semaphore(%run_scoped3A_139 : memref<!tpu.dma_semaphore, #tpu.memory_space<semaphore_mem>>) src(%dma_wait3A_147 : memref<64x128xf32, #tpu.memory_space<hbm>>) dst(%arg11 : memref<64x128xf32, #tpu.memory_space<vmem>>)
      tpu.yield
    }) : () -> ()
    %run_scoped3A = arith.constant 0 : i32
    "tpu.region"() ({
      %run_scoped3A_139 = tpu.sem_alloc : memref<!tpu.dma_semaphore, #tpu.memory_space<semaphore_mem>>
      %dma_start3A_140 = arith.constant 0 : i32
      %dma_start3A_141 = tpu.memref_slice %arg12[%run_scoped3A, %dma_start3A_140] : memref<2x128xf32, #tpu.memory_space<vmem>> -> memref<1x128xf32, #tpu.memory_space<vmem>>
      %dma_start3A_142 = tpu.memref_squeeze %dma_start3A_141 : memref<1x128xf32, #tpu.memory_space<vmem>> -> memref<128xf32, #tpu.memory_space<vmem>>
      %dma_start3A_143 = arith.constant 0 : i32
      %dma_start3A_144 = tpu.memref_slice %arg12[%run_scoped3A, %dma_start3A_143] : memref<2x128xf32, #tpu.memory_space<vmem>> -> memref<1x128xf32, #tpu.memory_space<vmem>>
      %dma_start3A_145 = tpu.memref_squeeze %dma_start3A_144 : memref<1x128xf32, #tpu.memory_space<vmem>> -> memref<128xf32, #tpu.memory_space<vmem>>
      tpu.enqueue_dma source(%arg5 : memref<128xf32, #tpu.memory_space<hbm>>) target(%dma_start3A_145 : memref<128xf32, #tpu.memory_space<vmem>>) target_semaphore(%run_scoped3A_139 : memref<!tpu.dma_semaphore, #tpu.memory_space<semaphore_mem>>)
      %dma_wait3A_146 = arith.constant 0 : i32
      %dma_wait3A_147 = tpu.memref_slice %arg12[%run_scoped3A, %dma_wait3A_146] : memref<2x128xf32, #tpu.memory_space<vmem>> -> memref<1x128xf32, #tpu.memory_space<vmem>>
      %dma_wait3A_148 = tpu.memref_squeeze %dma_wait3A_147 : memref<1x128xf32, #tpu.memory_space<vmem>> -> memref<128xf32, #tpu.memory_space<vmem>>
      %dma_wait3A_149 = arith.constant 0 : i32
      %dma_wait3A_150 = tpu.memref_slice %arg12[%run_scoped3A, %dma_wait3A_149] : memref<2x128xf32, #tpu.memory_space<vmem>> -> memref<1x128xf32, #tpu.memory_space<vmem>>
      %dma_wait3A_151 = tpu.memref_squeeze %dma_wait3A_150 : memref<1x128xf32, #tpu.memory_space<vmem>> -> memref<128xf32, #tpu.memory_space<vmem>>
      tpu.wait_dma2 semaphore(%run_scoped3A_139 : memref<!tpu.dma_semaphore, #tpu.memory_space<semaphore_mem>>) src(%arg5 : memref<128xf32, #tpu.memory_space<hbm>>) dst(%dma_wait3A_151 : memref<128xf32, #tpu.memory_space<vmem>>)
      tpu.yield
    }) : () -> ()
    %run_scoped3A_24 = arith.constant 1 : i32
    "tpu.region"() ({
      %run_scoped3A_139 = tpu.sem_alloc : memref<!tpu.dma_semaphore, #tpu.memory_space<semaphore_mem>>
      %dma_start3A_140 = arith.constant 0 : i32
      %dma_start3A_141 = tpu.memref_slice %arg12[%run_scoped3A_24, %dma_start3A_140] : memref<2x128xf32, #tpu.memory_space<vmem>> -> memref<1x128xf32, #tpu.memory_space<vmem>>
      %dma_start3A_142 = tpu.memref_squeeze %dma_start3A_141 : memref<1x128xf32, #tpu.memory_space<vmem>> -> memref<128xf32, #tpu.memory_space<vmem>>
      %dma_start3A_143 = arith.constant 0 : i32
      %dma_start3A_144 = tpu.memref_slice %arg12[%run_scoped3A_24, %dma_start3A_143] : memref<2x128xf32, #tpu.memory_space<vmem>> -> memref<1x128xf32, #tpu.memory_space<vmem>>
      %dma_start3A_145 = tpu.memref_squeeze %dma_start3A_144 : memref<1x128xf32, #tpu.memory_space<vmem>> -> memref<128xf32, #tpu.memory_space<vmem>>
      tpu.enqueue_dma source(%arg6 : memref<128xf32, #tpu.memory_space<hbm>>) target(%dma_start3A_145 : memref<128xf32, #tpu.memory_space<vmem>>) target_semaphore(%run_scoped3A_139 : memref<!tpu.dma_semaphore, #tpu.memory_space<semaphore_mem>>)
      %dma_wait3A_146 = arith.constant 0 : i32
      %dma_wait3A_147 = tpu.memref_slice %arg12[%run_scoped3A_24, %dma_wait3A_146] : memref<2x128xf32, #tpu.memory_space<vmem>> -> memref<1x128xf32, #tpu.memory_space<vmem>>
      %dma_wait3A_148 = tpu.memref_squeeze %dma_wait3A_147 : memref<1x128xf32, #tpu.memory_space<vmem>> -> memref<128xf32, #tpu.memory_space<vmem>>
      %dma_wait3A_149 = arith.constant 0 : i32
      %dma_wait3A_150 = tpu.memref_slice %arg12[%run_scoped3A_24, %dma_wait3A_149] : memref<2x128xf32, #tpu.memory_space<vmem>> -> memref<1x128xf32, #tpu.memory_space<vmem>>
      %dma_wait3A_151 = tpu.memref_squeeze %dma_wait3A_150 : memref<1x128xf32, #tpu.memory_space<vmem>> -> memref<128xf32, #tpu.memory_space<vmem>>
      tpu.wait_dma2 semaphore(%run_scoped3A_139 : memref<!tpu.dma_semaphore, #tpu.memory_space<semaphore_mem>>) src(%arg6 : memref<128xf32, #tpu.memory_space<hbm>>) dst(%dma_wait3A_151 : memref<128xf32, #tpu.memory_space<vmem>>)
      tpu.yield
    }) : () -> ()
    %dma_wait3A = arith.constant 0 : i32
    %dma_wait3A_25 = arith.constant 0 : i32
    %dma_wait3A_26 = arith.constant 0 : i32
    %dma_wait3A_27 = tpu.memref_slice %arg9[%dma_wait3A_25, %dma_wait3A_26] : memref<256x128xf32, #tpu.memory_space<vmem>> -> memref<128x128xf32, #tpu.memory_space<vmem>>
    %dma_wait3A_28 = arith.constant 0 : i32
    %dma_wait3A_29 = tpu.memref_slice %arg8[%dma_wait3A, %dma_wait3A_28] : memref<2x128xi32, #tpu.memory_space<vmem>> -> memref<1x128xi32, #tpu.memory_space<vmem>>
    %dma_wait3A_30 = tpu.memref_squeeze %dma_wait3A_29 : memref<1x128xi32, #tpu.memory_space<vmem>> -> memref<128xi32, #tpu.memory_space<vmem>>
    %dma_wait3A_31 = arith.constant 0 : i32
    %dma_wait3A_32 = arith.constant 0 : i32
    %dma_wait3A_33 = tpu.memref_slice %arg2[%dma_wait3A_31, %dma_wait3A_32] : memref<100000x128xf32, #tpu.memory_space<hbm>> -> memref<100000x128xf32, #tpu.memory_space<hbm>>
    tpu.wait_indirect_dma semaphore(%arg13 : memref<!tpu.dma_semaphore, #tpu.memory_space<semaphore_mem>>) src(%dma_wait3A_33 : memref<100000x128xf32, #tpu.memory_space<hbm>>) dst(%dma_wait3A_27 : memref<128x128xf32, #tpu.memory_space<vmem>>)
    %dma_wait3A_34 = arith.constant 1 : i32
    %dma_wait3A_35 = arith.constant 128 : i32
    %dma_wait3A_36 = arith.constant 0 : i32
    %dma_wait3A_37 = tpu.memref_slice %arg9[%dma_wait3A_35, %dma_wait3A_36] : memref<256x128xf32, #tpu.memory_space<vmem>> -> memref<128x128xf32, #tpu.memory_space<vmem>>
    %dma_wait3A_38 = arith.constant 0 : i32
    %dma_wait3A_39 = tpu.memref_slice %arg8[%dma_wait3A_34, %dma_wait3A_38] : memref<2x128xi32, #tpu.memory_space<vmem>> -> memref<1x128xi32, #tpu.memory_space<vmem>>
    %dma_wait3A_40 = tpu.memref_squeeze %dma_wait3A_39 : memref<1x128xi32, #tpu.memory_space<vmem>> -> memref<128xi32, #tpu.memory_space<vmem>>
    %dma_wait3A_41 = arith.constant 0 : i32
    %dma_wait3A_42 = arith.constant 0 : i32
    %dma_wait3A_43 = tpu.memref_slice %arg2[%dma_wait3A_41, %dma_wait3A_42] : memref<100000x128xf32, #tpu.memory_space<hbm>> -> memref<100000x128xf32, #tpu.memory_space<hbm>>
    tpu.wait_indirect_dma semaphore(%arg13 : memref<!tpu.dma_semaphore, #tpu.memory_space<semaphore_mem>>) src(%dma_wait3A_43 : memref<100000x128xf32, #tpu.memory_space<hbm>>) dst(%dma_wait3A_37 : memref<128x128xf32, #tpu.memory_space<vmem>>)
    %get3A = arith.constant 0 : i32
    %get3A_44 = arith.index_cast %get3A : i32 to index
    %get3A_45 = arith.constant 0 : index
    %get3A_46 = tpu.vector_load %arg12[%get3A_44, %get3A_45] {strides = array<i32>} : memref<2x128xf32, #tpu.memory_space<vmem>>, vector<1x16xf32>,
    %get3A_47 = vector.shape_cast %get3A_46 : vector<1x16xf32> to vector<16xf32>
    %get3A_48 = arith.constant 0 : i32
    %get3A_49 = arith.index_cast %get3A_48 : i32 to index
    %get3A_50 = arith.constant 16 : index
    %get3A_51 = tpu.vector_load %arg12[%get3A_49, %get3A_50] {strides = array<i32>} : memref<2x128xf32, #tpu.memory_space<vmem>>, vector<1x16xf32>,
    %get3A_52 = vector.shape_cast %get3A_51 : vector<1x16xf32> to vector<16xf32>
    %get3A_53 = arith.constant 0 : i32
    %get3A_54 = arith.index_cast %get3A_53 : i32 to index
    %get3A_55 = arith.constant 32 : index
    %get3A_56 = tpu.vector_load %arg12[%get3A_54, %get3A_55] {strides = array<i32>} : memref<2x128xf32, #tpu.memory_space<vmem>>, vector<1x16xf32>,
    %get3A_57 = vector.shape_cast %get3A_56 : vector<1x16xf32> to vector<16xf32>
    %get3A_58 = arith.constant 0 : i32
    %get3A_59 = arith.index_cast %get3A_58 : i32 to index
    %get3A_60 = arith.constant 48 : index
    %get3A_61 = tpu.vector_load %arg12[%get3A_59, %get3A_60] {strides = array<i32>} : memref<2x128xf32, #tpu.memory_space<vmem>>, vector<1x16xf32>,
    %get3A_62 = vector.shape_cast %get3A_61 : vector<1x16xf32> to vector<16xf32>
    %get3A_63 = arith.constant 0 : i32
    %get3A_64 = arith.index_cast %get3A_63 : i32 to index
    %get3A_65 = arith.constant 64 : index
    %get3A_66 = tpu.vector_load %arg12[%get3A_64, %get3A_65] {strides = array<i32>} : memref<2x128xf32, #tpu.memory_space<vmem>>, vector<1x16xf32>,
    %get3A_67 = vector.shape_cast %get3A_66 : vector<1x16xf32> to vector<16xf32>
    %get3A_68 = arith.constant 0 : i32
    %get3A_69 = arith.index_cast %get3A_68 : i32 to index
    %get3A_70 = arith.constant 80 : index
    %get3A_71 = tpu.vector_load %arg12[%get3A_69, %get3A_70] {strides = array<i32>} : memref<2x128xf32, #tpu.memory_space<vmem>>, vector<1x16xf32>,
    %get3A_72 = vector.shape_cast %get3A_71 : vector<1x16xf32> to vector<16xf32>
    %get3A_73 = arith.constant 0 : i32
    %get3A_74 = arith.index_cast %get3A_73 : i32 to index
    %get3A_75 = arith.constant 96 : index
    %get3A_76 = tpu.vector_load %arg12[%get3A_74, %get3A_75] {strides = array<i32>} : memref<2x128xf32, #tpu.memory_space<vmem>>, vector<1x16xf32>,
    %get3A_77 = vector.shape_cast %get3A_76 : vector<1x16xf32> to vector<16xf32>
    %get3A_78 = arith.constant 0 : i32
    %get3A_79 = arith.index_cast %get3A_78 : i32 to index
    %get3A_80 = arith.constant 112 : index
    %get3A_81 = tpu.vector_load %arg12[%get3A_79, %get3A_80] {strides = array<i32>} : memref<2x128xf32, #tpu.memory_space<vmem>>, vector<1x16xf32>,
    %get3A_82 = vector.shape_cast %get3A_81 : vector<1x16xf32> to vector<16xf32>
    %get3A_83 = arith.constant 1 : i32
    %get3A_84 = arith.index_cast %get3A_83 : i32 to index
    %get3A_85 = arith.constant 0 : index
    %get3A_86 = tpu.vector_load %arg12[%get3A_84, %get3A_85] {strides = array<i32>} : memref<2x128xf32, #tpu.memory_space<vmem>>, vector<1x16xf32>,
    %get3A_87 = vector.shape_cast %get3A_86 : vector<1x16xf32> to vector<16xf32>
    %get3A_88 = arith.constant 1 : i32
    %get3A_89 = arith.index_cast %get3A_88 : i32 to index
    %get3A_90 = arith.constant 16 : index
    %get3A_91 = tpu.vector_load %arg12[%get3A_89, %get3A_90] {strides = array<i32>} : memref<2x128xf32, #tpu.memory_space<vmem>>, vector<1x16xf32>,
    %get3A_92 = vector.shape_cast %get3A_91 : vector<1x16xf32> to vector<16xf32>
    %get3A_93 = arith.constant 1 : i32
    %get3A_94 = arith.index_cast %get3A_93 : i32 to index
    %get3A_95 = arith.constant 32 : index
    %get3A_96 = tpu.vector_load %arg12[%get3A_94, %get3A_95] {strides = array<i32>} : memref<2x128xf32, #tpu.memory_space<vmem>>, vector<1x16xf32>,
    %get3A_97 = vector.shape_cast %get3A_96 : vector<1x16xf32> to vector<16xf32>
    %get3A_98 = arith.constant 1 : i32
    %get3A_99 = arith.index_cast %get3A_98 : i32 to index
    %get3A_100 = arith.constant 48 : index
    %get3A_101 = tpu.vector_load %arg12[%get3A_99, %get3A_100] {strides = array<i32>} : memref<2x128xf32, #tpu.memory_space<vmem>>, vector<1x16xf32>,
    %get3A_102 = vector.shape_cast %get3A_101 : vector<1x16xf32> to vector<16xf32>
    %get3A_103 = arith.constant 1 : i32
    %get3A_104 = arith.index_cast %get3A_103 : i32 to index
    %get3A_105 = arith.constant 64 : index
    %get3A_106 = tpu.vector_load %arg12[%get3A_104, %get3A_105] {strides = array<i32>} : memref<2x128xf32, #tpu.memory_space<vmem>>, vector<1x16xf32>,
    %get3A_107 = vector.shape_cast %get3A_106 : vector<1x16xf32> to vector<16xf32>
    %get3A_108 = arith.constant 1 : i32
    %get3A_109 = arith.index_cast %get3A_108 : i32 to index
    %get3A_110 = arith.constant 80 : index
    %get3A_111 = tpu.vector_load %arg12[%get3A_109, %get3A_110] {strides = array<i32>} : memref<2x128xf32, #tpu.memory_space<vmem>>, vector<1x16xf32>,
    %get3A_112 = vector.shape_cast %get3A_111 : vector<1x16xf32> to vector<16xf32>
    %get3A_113 = arith.constant 1 : i32
    %get3A_114 = arith.index_cast %get3A_113 : i32 to index
    %get3A_115 = arith.constant 96 : index
    %get3A_116 = tpu.vector_load %arg12[%get3A_114, %get3A_115] {strides = array<i32>} : memref<2x128xf32, #tpu.memory_space<vmem>>, vector<1x16xf32>,
    %get3A_117 = vector.shape_cast %get3A_116 : vector<1x16xf32> to vector<16xf32>
    %get3A_118 = arith.constant 1 : i32
    %get3A_119 = arith.index_cast %get3A_118 : i32 to index
    %get3A_120 = arith.constant 112 : index
    %get3A_121 = tpu.vector_load %arg12[%get3A_119, %get3A_120] {strides = array<i32>} : memref<2x128xf32, #tpu.memory_space<vmem>>, vector<1x16xf32>,
    %get3A_122 = vector.shape_cast %get3A_121 : vector<1x16xf32> to vector<16xf32>
    %iota3A = tpu.iota {dimensions = array<i32: 0>} : vector<16xi32>
    %xor3A = arith.constant 1 : i32
    %xor3A_123 = vector.broadcast %xor3A : i32 to vector<16xi32>
    %xor3A_124 = arith.xori %iota3A, %xor3A_123 : vector<16xi32>
    %xor3A_125 = arith.constant 2 : i32
    %xor3A_126 = vector.broadcast %xor3A_125 : i32 to vector<16xi32>
    %xor3A_127 = arith.xori %iota3A, %xor3A_126 : vector<16xi32>
    %xor3A_128 = arith.constant 4 : i32
    %xor3A_129 = vector.broadcast %xor3A_128 : i32 to vector<16xi32>
    %xor3A_130 = arith.xori %iota3A, %xor3A_129 : vector<16xi32>
    %xor3A_131 = arith.constant 8 : i32
    %xor3A_132 = vector.broadcast %xor3A_131 : i32 to vector<16xi32>
    %xor3A_133 = arith.xori %iota3A, %xor3A_132 : vector<16xi32>
    %parallel_loop3A = arith.constant 0 : i32
    %parallel_loop3A_134 = arith.constant 256 : i32
    %parallel_loop3A_135 = arith.constant 1 : i32
    %parallel_loop3A_136 = arith.constant 7.812500e-03 : f32
    scf.for %parallel_loop3A_139 = %parallel_loop3A to %parallel_loop3A_134 step %parallel_loop3A_135  : i32 {
      %parallel_loop3A_140 = arith.constant 2 : i32
      %parallel_loop3A_141 = arith.shrsi %parallel_loop3A_139, %parallel_loop3A_140 : i32
      %parallel_loop3A_142 = arith.index_cast %parallel_loop3A_139 : i32 to index
      %parallel_loop3A_143 = arith.constant 0 : index
      %parallel_loop3A_144 = tpu.vector_load %arg9[%parallel_loop3A_142, %parallel_loop3A_143] {strides = array<i32>} : memref<256x128xf32, #tpu.memory_space<vmem>>, vector<1x16xf32>,
      %parallel_loop3A_145 = vector.shape_cast %parallel_loop3A_144 : vector<1x16xf32> to vector<16xf32>
      %parallel_loop3A_146 = arith.index_cast %parallel_loop3A_141 : i32 to index
      %parallel_loop3A_147 = arith.constant 0 : index
      %parallel_loop3A_148 = tpu.vector_load %arg11[%parallel_loop3A_146, %parallel_loop3A_147] {strides = array<i32>} : memref<64x128xf32, #tpu.memory_space<vmem>>, vector<1x16xf32>,
      %parallel_loop3A_149 = vector.shape_cast %parallel_loop3A_148 : vector<1x16xf32> to vector<16xf32>
      %parallel_loop3A_150 = arith.addf %parallel_loop3A_145, %parallel_loop3A_149 : vector<16xf32>
      %parallel_loop3A_151 = arith.index_cast %parallel_loop3A_139 : i32 to index
      %parallel_loop3A_152 = arith.constant 16 : index
      %parallel_loop3A_153 = tpu.vector_load %arg9[%parallel_loop3A_151, %parallel_loop3A_152] {strides = array<i32>} : memref<256x128xf32, #tpu.memory_space<vmem>>, vector<1x16xf32>,
      %parallel_loop3A_154 = vector.shape_cast %parallel_loop3A_153 : vector<1x16xf32> to vector<16xf32>
      %parallel_loop3A_155 = arith.index_cast %parallel_loop3A_141 : i32 to index
      %parallel_loop3A_156 = arith.constant 16 : index
      %parallel_loop3A_157 = tpu.vector_load %arg11[%parallel_loop3A_155, %parallel_loop3A_156] {strides = array<i32>} : memref<64x128xf32, #tpu.memory_space<vmem>>, vector<1x16xf32>,
      %parallel_loop3A_158 = vector.shape_cast %parallel_loop3A_157 : vector<1x16xf32> to vector<16xf32>
      %parallel_loop3A_159 = arith.addf %parallel_loop3A_154, %parallel_loop3A_158 : vector<16xf32>
      %parallel_loop3A_160 = arith.index_cast %parallel_loop3A_139 : i32 to index
      %parallel_loop3A_161 = arith.constant 32 : index
      %parallel_loop3A_162 = tpu.vector_load %arg9[%parallel_loop3A_160, %parallel_loop3A_161] {strides = array<i32>} : memref<256x128xf32, #tpu.memory_space<vmem>>, vector<1x16xf32>,
      %parallel_loop3A_163 = vector.shape_cast %parallel_loop3A_162 : vector<1x16xf32> to vector<16xf32>
      %parallel_loop3A_164 = arith.index_cast %parallel_loop3A_141 : i32 to index
      %parallel_loop3A_165 = arith.constant 32 : index
      %parallel_loop3A_166 = tpu.vector_load %arg11[%parallel_loop3A_164, %parallel_loop3A_165] {strides = array<i32>} : memref<64x128xf32, #tpu.memory_space<vmem>>, vector<1x16xf32>,
      %parallel_loop3A_167 = vector.shape_cast %parallel_loop3A_166 : vector<1x16xf32> to vector<16xf32>
      %parallel_loop3A_168 = arith.addf %parallel_loop3A_163, %parallel_loop3A_167 : vector<16xf32>
      %parallel_loop3A_169 = arith.index_cast %parallel_loop3A_139 : i32 to index
      %parallel_loop3A_170 = arith.constant 48 : index
      %parallel_loop3A_171 = tpu.vector_load %arg9[%parallel_loop3A_169, %parallel_loop3A_170] {strides = array<i32>} : memref<256x128xf32, #tpu.memory_space<vmem>>, vector<1x16xf32>,
      %parallel_loop3A_172 = vector.shape_cast %parallel_loop3A_171 : vector<1x16xf32> to vector<16xf32>
      %parallel_loop3A_173 = arith.index_cast %parallel_loop3A_141 : i32 to index
      %parallel_loop3A_174 = arith.constant 48 : index
      %parallel_loop3A_175 = tpu.vector_load %arg11[%parallel_loop3A_173, %parallel_loop3A_174] {strides = array<i32>} : memref<64x128xf32, #tpu.memory_space<vmem>>, vector<1x16xf32>,
      %parallel_loop3A_176 = vector.shape_cast %parallel_loop3A_175 : vector<1x16xf32> to vector<16xf32>
      %parallel_loop3A_177 = arith.addf %parallel_loop3A_172, %parallel_loop3A_176 : vector<16xf32>
      %parallel_loop3A_178 = arith.index_cast %parallel_loop3A_139 : i32 to index
      %parallel_loop3A_179 = arith.constant 64 : index
      %parallel_loop3A_180 = tpu.vector_load %arg9[%parallel_loop3A_178, %parallel_loop3A_179] {strides = array<i32>} : memref<256x128xf32, #tpu.memory_space<vmem>>, vector<1x16xf32>,
      %parallel_loop3A_181 = vector.shape_cast %parallel_loop3A_180 : vector<1x16xf32> to vector<16xf32>
      %parallel_loop3A_182 = arith.index_cast %parallel_loop3A_141 : i32 to index
      %parallel_loop3A_183 = arith.constant 64 : index
      %parallel_loop3A_184 = tpu.vector_load %arg11[%parallel_loop3A_182, %parallel_loop3A_183] {strides = array<i32>} : memref<64x128xf32, #tpu.memory_space<vmem>>, vector<1x16xf32>,
      %parallel_loop3A_185 = vector.shape_cast %parallel_loop3A_184 : vector<1x16xf32> to vector<16xf32>
      %parallel_loop3A_186 = arith.addf %parallel_loop3A_181, %parallel_loop3A_185 : vector<16xf32>
      %parallel_loop3A_187 = arith.index_cast %parallel_loop3A_139 : i32 to index
      %parallel_loop3A_188 = arith.constant 80 : index
      %parallel_loop3A_189 = tpu.vector_load %arg9[%parallel_loop3A_187, %parallel_loop3A_188] {strides = array<i32>} : memref<256x128xf32, #tpu.memory_space<vmem>>, vector<1x16xf32>,
      %parallel_loop3A_190 = vector.shape_cast %parallel_loop3A_189 : vector<1x16xf32> to vector<16xf32>
      %parallel_loop3A_191 = arith.index_cast %parallel_loop3A_141 : i32 to index
      %parallel_loop3A_192 = arith.constant 80 : index
      %parallel_loop3A_193 = tpu.vector_load %arg11[%parallel_loop3A_191, %parallel_loop3A_192] {strides = array<i32>} : memref<64x128xf32, #tpu.memory_space<vmem>>, vector<1x16xf32>,
      %parallel_loop3A_194 = vector.shape_cast %parallel_loop3A_193 : vector<1x16xf32> to vector<16xf32>
      %parallel_loop3A_195 = arith.addf %parallel_loop3A_190, %parallel_loop3A_194 : vector<16xf32>
      %parallel_loop3A_196 = arith.index_cast %parallel_loop3A_139 : i32 to index
      %parallel_loop3A_197 = arith.constant 96 : index
      %parallel_loop3A_198 = tpu.vector_load %arg9[%parallel_loop3A_196, %parallel_loop3A_197] {strides = array<i32>} : memref<256x128xf32, #tpu.memory_space<vmem>>, vector<1x16xf32>,
      %parallel_loop3A_199 = vector.shape_cast %parallel_loop3A_198 : vector<1x16xf32> to vector<16xf32>
      %parallel_loop3A_200 = arith.index_cast %parallel_loop3A_141 : i32 to index
      %parallel_loop3A_201 = arith.constant 96 : index
      %parallel_loop3A_202 = tpu.vector_load %arg11[%parallel_loop3A_200, %parallel_loop3A_201] {strides = array<i32>} : memref<64x128xf32, #tpu.memory_space<vmem>>, vector<1x16xf32>,
      %parallel_loop3A_203 = vector.shape_cast %parallel_loop3A_202 : vector<1x16xf32> to vector<16xf32>
      %parallel_loop3A_204 = arith.addf %parallel_loop3A_199, %parallel_loop3A_203 : vector<16xf32>
      %parallel_loop3A_205 = arith.index_cast %parallel_loop3A_139 : i32 to index
      %parallel_loop3A_206 = arith.constant 112 : index
      %parallel_loop3A_207 = tpu.vector_load %arg9[%parallel_loop3A_205, %parallel_loop3A_206] {strides = array<i32>} : memref<256x128xf32, #tpu.memory_space<vmem>>, vector<1x16xf32>,
      %parallel_loop3A_208 = vector.shape_cast %parallel_loop3A_207 : vector<1x16xf32> to vector<16xf32>
      %parallel_loop3A_209 = arith.index_cast %parallel_loop3A_141 : i32 to index
      %parallel_loop3A_210 = arith.constant 112 : index
      %parallel_loop3A_211 = tpu.vector_load %arg11[%parallel_loop3A_209, %parallel_loop3A_210] {strides = array<i32>} : memref<64x128xf32, #tpu.memory_space<vmem>>, vector<1x16xf32>,
      %parallel_loop3A_212 = vector.shape_cast %parallel_loop3A_211 : vector<1x16xf32> to vector<16xf32>
      %parallel_loop3A_213 = arith.addf %parallel_loop3A_208, %parallel_loop3A_212 : vector<16xf32>
      %parallel_loop3A_214 = arith.addf %parallel_loop3A_150, %parallel_loop3A_159 : vector<16xf32>
      %parallel_loop3A_215 = arith.addf %parallel_loop3A_168, %parallel_loop3A_177 : vector<16xf32>
      %parallel_loop3A_216 = arith.addf %parallel_loop3A_186, %parallel_loop3A_195 : vector<16xf32>
      %parallel_loop3A_217 = arith.addf %parallel_loop3A_204, %parallel_loop3A_213 : vector<16xf32>
      %parallel_loop3A_218 = arith.addf %parallel_loop3A_214, %parallel_loop3A_215 : vector<16xf32>
      %parallel_loop3A_219 = arith.addf %parallel_loop3A_216, %parallel_loop3A_217 : vector<16xf32>
      %parallel_loop3A_220 = arith.addf %parallel_loop3A_218, %parallel_loop3A_219 : vector<16xf32>
      %parallel_loop3A_221 = arith.mulf %parallel_loop3A_150, %parallel_loop3A_150 : vector<16xf32>
      %parallel_loop3A_222 = arith.mulf %parallel_loop3A_159, %parallel_loop3A_159 : vector<16xf32>
      %parallel_loop3A_223 = arith.mulf %parallel_loop3A_168, %parallel_loop3A_168 : vector<16xf32>
      %parallel_loop3A_224 = arith.mulf %parallel_loop3A_177, %parallel_loop3A_177 : vector<16xf32>
      %parallel_loop3A_225 = arith.mulf %parallel_loop3A_186, %parallel_loop3A_186 : vector<16xf32>
      %parallel_loop3A_226 = arith.mulf %parallel_loop3A_195, %parallel_loop3A_195 : vector<16xf32>
      %parallel_loop3A_227 = arith.mulf %parallel_loop3A_204, %parallel_loop3A_204 : vector<16xf32>
      %parallel_loop3A_228 = arith.mulf %parallel_loop3A_213, %parallel_loop3A_213 : vector<16xf32>
      %parallel_loop3A_229 = arith.addf %parallel_loop3A_221, %parallel_loop3A_222 : vector<16xf32>
      %parallel_loop3A_230 = arith.addf %parallel_loop3A_223, %parallel_loop3A_224 : vector<16xf32>
      %parallel_loop3A_231 = arith.addf %parallel_loop3A_225, %parallel_loop3A_226 : vector<16xf32>
      %parallel_loop3A_232 = arith.addf %parallel_loop3A_227, %parallel_loop3A_228 : vector<16xf32>
      %parallel_loop3A_233 = arith.addf %parallel_loop3A_229, %parallel_loop3A_230 : vector<16xf32>
      %parallel_loop3A_234 = arith.addf %parallel_loop3A_231, %parallel_loop3A_232 : vector<16xf32>
      %parallel_loop3A_235 = arith.addf %parallel_loop3A_233, %parallel_loop3A_234 : vector<16xf32>
      %parallel_loop3A_236 = vector.shape_cast %xor3A_124 : vector<16xi32> to vector<16x1xi32>
      %parallel_loop3A_237 = vector.shape_cast %parallel_loop3A_236 : vector<16x1xi32> to vector<16xi32>
      %parallel_loop3A_238 = tpu.dynamic_gather %parallel_loop3A_220[%parallel_loop3A_237] in [0] : vector<16xf32>, vector<16xi32> -> vector<16xf32>
      %parallel_loop3A_239 = arith.addf %parallel_loop3A_220, %parallel_loop3A_238 : vector<16xf32>
      %parallel_loop3A_240 = vector.shape_cast %xor3A_127 : vector<16xi32> to vector<16x1xi32>
      %parallel_loop3A_241 = vector.shape_cast %parallel_loop3A_240 : vector<16x1xi32> to vector<16xi32>
      %parallel_loop3A_242 = tpu.dynamic_gather %parallel_loop3A_239[%parallel_loop3A_241] in [0] : vector<16xf32>, vector<16xi32> -> vector<16xf32>
      %parallel_loop3A_243 = arith.addf %parallel_loop3A_239, %parallel_loop3A_242 : vector<16xf32>
      %parallel_loop3A_244 = vector.shape_cast %xor3A_130 : vector<16xi32> to vector<16x1xi32>
      %parallel_loop3A_245 = vector.shape_cast %parallel_loop3A_244 : vector<16x1xi32> to vector<16xi32>
      %parallel_loop3A_246 = tpu.dynamic_gather %parallel_loop3A_243[%parallel_loop3A_245] in [0] : vector<16xf32>, vector<16xi32> -> vector<16xf32>
      %parallel_loop3A_247 = arith.addf %parallel_loop3A_243, %parallel_loop3A_246 : vector<16xf32>
      %parallel_loop3A_248 = vector.shape_cast %xor3A_133 : vector<16xi32> to vector<16x1xi32>
      %parallel_loop3A_249 = vector.shape_cast %parallel_loop3A_248 : vector<16x1xi32> to vector<16xi32>
      %parallel_loop3A_250 = tpu.dynamic_gather %parallel_loop3A_247[%parallel_loop3A_249] in [0] : vector<16xf32>, vector<16xi32> -> vector<16xf32>
      %parallel_loop3A_251 = arith.addf %parallel_loop3A_247, %parallel_loop3A_250 : vector<16xf32>
      %parallel_loop3A_252 = vector.broadcast %parallel_loop3A_136 : f32 to vector<16xf32>
      %parallel_loop3A_253 = arith.mulf %parallel_loop3A_251, %parallel_loop3A_252 : vector<16xf32>
      %parallel_loop3A_254 = vector.shape_cast %xor3A_124 : vector<16xi32> to vector<16x1xi32>
      %parallel_loop3A_255 = vector.shape_cast %parallel_loop3A_254 : vector<16x1xi32> to vector<16xi32>
      %parallel_loop3A_256 = tpu.dynamic_gather %parallel_loop3A_235[%parallel_loop3A_255] in [0] : vector<16xf32>, vector<16xi32> -> vector<16xf32>
      %parallel_loop3A_257 = arith.addf %parallel_loop3A_235, %parallel_loop3A_256 : vector<16xf32>
      %parallel_loop3A_258 = vector.shape_cast %xor3A_127 : vector<16xi32> to vector<16x1xi32>
      %parallel_loop3A_259 = vector.shape_cast %parallel_loop3A_258 : vector<16x1xi32> to vector<16xi32>
      %parallel_loop3A_260 = tpu.dynamic_gather %parallel_loop3A_257[%parallel_loop3A_259] in [0] : vector<16xf32>, vector<16xi32> -> vector<16xf32>
      %parallel_loop3A_261 = arith.addf %parallel_loop3A_257, %parallel_loop3A_260 : vector<16xf32>
      %parallel_loop3A_262 = vector.shape_cast %xor3A_130 : vector<16xi32> to vector<16x1xi32>
      %parallel_loop3A_263 = vector.shape_cast %parallel_loop3A_262 : vector<16x1xi32> to vector<16xi32>
      %parallel_loop3A_264 = tpu.dynamic_gather %parallel_loop3A_261[%parallel_loop3A_263] in [0] : vector<16xf32>, vector<16xi32> -> vector<16xf32>
      %parallel_loop3A_265 = arith.addf %parallel_loop3A_261, %parallel_loop3A_264 : vector<16xf32>
      %parallel_loop3A_266 = vector.shape_cast %xor3A_133 : vector<16xi32> to vector<16x1xi32>
      %parallel_loop3A_267 = vector.shape_cast %parallel_loop3A_266 : vector<16x1xi32> to vector<16xi32>
      %parallel_loop3A_268 = tpu.dynamic_gather %parallel_loop3A_265[%parallel_loop3A_267] in [0] : vector<16xf32>, vector<16xi32> -> vector<16xf32>
      %parallel_loop3A_269 = arith.addf %parallel_loop3A_265, %parallel_loop3A_268 : vector<16xf32>
      %parallel_loop3A_270 = vector.broadcast %parallel_loop3A_136 : f32 to vector<16xf32>
      %parallel_loop3A_271 = arith.mulf %parallel_loop3A_269, %parallel_loop3A_270 : vector<16xf32>
      %parallel_loop3A_272 = arith.mulf %parallel_loop3A_253, %parallel_loop3A_253 : vector<16xf32>
      %parallel_loop3A_273 = arith.subf %parallel_loop3A_271, %parallel_loop3A_272 : vector<16xf32>
      %parallel_loop3A_274 = arith.constant 9.99999974E-6 : f32
      %parallel_loop3A_275 = vector.broadcast %parallel_loop3A_274 : f32 to vector<16xf32>
      %parallel_loop3A_276 = arith.addf %parallel_loop3A_273, %parallel_loop3A_275 : vector<16xf32>
      %parallel_loop3A_277 = tpu.bitcast %parallel_loop3A_276 : vector<16xf32> -> vector<16xi32>
      %parallel_loop3A_278 = arith.constant 1 : i32
      %parallel_loop3A_279 = vector.broadcast %parallel_loop3A_278 : i32 to vector<16xi32>
      %parallel_loop3A_280 = arith.shrsi %parallel_loop3A_277, %parallel_loop3A_279 : vector<16xi32>
      %parallel_loop3A_281 = arith.constant 1597463007 : i32
      %parallel_loop3A_282 = vector.broadcast %parallel_loop3A_281 : i32 to vector<16xi32>
      %parallel_loop3A_283 = arith.subi %parallel_loop3A_282, %parallel_loop3A_280 : vector<16xi32>
      %parallel_loop3A_284 = tpu.bitcast %parallel_loop3A_283 : vector<16xi32> -> vector<16xf32>
      %parallel_loop3A_285 = arith.constant 5.000000e-01 : f32
      %parallel_loop3A_286 = vector.broadcast %parallel_loop3A_285 : f32 to vector<16xf32>
      %parallel_loop3A_287 = arith.mulf %parallel_loop3A_286, %parallel_loop3A_276 : vector<16xf32>
      %parallel_loop3A_288 = arith.mulf %parallel_loop3A_287, %parallel_loop3A_284 : vector<16xf32>
      %parallel_loop3A_289 = arith.mulf %parallel_loop3A_288, %parallel_loop3A_284 : vector<16xf32>
      %parallel_loop3A_290 = arith.constant 1.500000e+00 : f32
      %parallel_loop3A_291 = vector.broadcast %parallel_loop3A_290 : f32 to vector<16xf32>
      %parallel_loop3A_292 = arith.subf %parallel_loop3A_291, %parallel_loop3A_289 : vector<16xf32>
      %parallel_loop3A_293 = arith.mulf %parallel_loop3A_284, %parallel_loop3A_292 : vector<16xf32>
      %parallel_loop3A_294 = arith.constant 5.000000e-01 : f32
      %parallel_loop3A_295 = vector.broadcast %parallel_loop3A_294 : f32 to vector<16xf32>
      %parallel_loop3A_296 = arith.mulf %parallel_loop3A_295, %parallel_loop3A_276 : vector<16xf32>
      %parallel_loop3A_297 = arith.mulf %parallel_loop3A_296, %parallel_loop3A_293 : vector<16xf32>
      %parallel_loop3A_298 = arith.mulf %parallel_loop3A_297, %parallel_loop3A_293 : vector<16xf32>
      %parallel_loop3A_299 = arith.constant 1.500000e+00 : f32
      %parallel_loop3A_300 = vector.broadcast %parallel_loop3A_299 : f32 to vector<16xf32>
      %parallel_loop3A_301 = arith.subf %parallel_loop3A_300, %parallel_loop3A_298 : vector<16xf32>
      %parallel_loop3A_302 = arith.mulf %parallel_loop3A_293, %parallel_loop3A_301 : vector<16xf32>
      %parallel_loop3A_303 = arith.subf %parallel_loop3A_150, %parallel_loop3A_253 : vector<16xf32>
      %parallel_loop3A_304 = arith.mulf %parallel_loop3A_303, %parallel_loop3A_302 : vector<16xf32>
      %parallel_loop3A_305 = arith.mulf %parallel_loop3A_304, %get3A_47 : vector<16xf32>
      %parallel_loop3A_306 = arith.addf %parallel_loop3A_305, %get3A_87 : vector<16xf32>
      %parallel_loop3A_307 = arith.index_cast %parallel_loop3A_139 : i32 to index
      %parallel_loop3A_308 = arith.constant 0 : index
      %parallel_loop3A_309 = tpu.vector_load %arg10[%parallel_loop3A_307, %parallel_loop3A_308] {strides = array<i32>} : memref<256x128xf32, #tpu.memory_space<vmem>>, vector<1x16xf32>,
      %parallel_loop3A_310 = vector.shape_cast %parallel_loop3A_309 : vector<1x16xf32> to vector<16xf32>
      %parallel_loop3A_311 = vector.shape_cast %parallel_loop3A_306 : vector<16xf32> to vector<1x16xf32>
      tpu.vector_store %arg10[%parallel_loop3A_307, %parallel_loop3A_308], %parallel_loop3A_311 {strides = array<i32>} : memref<256x128xf32, #tpu.memory_space<vmem>>, vector<1x16xf32>,
      %parallel_loop3A_312 = arith.subf %parallel_loop3A_159, %parallel_loop3A_253 : vector<16xf32>
      %parallel_loop3A_313 = arith.mulf %parallel_loop3A_312, %parallel_loop3A_302 : vector<16xf32>
      %parallel_loop3A_314 = arith.mulf %parallel_loop3A_313, %get3A_52 : vector<16xf32>
      %parallel_loop3A_315 = arith.addf %parallel_loop3A_314, %get3A_92 : vector<16xf32>
      %parallel_loop3A_316 = arith.index_cast %parallel_loop3A_139 : i32 to index
      %parallel_loop3A_317 = arith.constant 16 : index
      %parallel_loop3A_318 = tpu.vector_load %arg10[%parallel_loop3A_316, %parallel_loop3A_317] {strides = array<i32>} : memref<256x128xf32, #tpu.memory_space<vmem>>, vector<1x16xf32>,
      %parallel_loop3A_319 = vector.shape_cast %parallel_loop3A_318 : vector<1x16xf32> to vector<16xf32>
      %parallel_loop3A_320 = vector.shape_cast %parallel_loop3A_315 : vector<16xf32> to vector<1x16xf32>
      tpu.vector_store %arg10[%parallel_loop3A_316, %parallel_loop3A_317], %parallel_loop3A_320 {strides = array<i32>} : memref<256x128xf32, #tpu.memory_space<vmem>>, vector<1x16xf32>,
      %parallel_loop3A_321 = arith.subf %parallel_loop3A_168, %parallel_loop3A_253 : vector<16xf32>
      %parallel_loop3A_322 = arith.mulf %parallel_loop3A_321, %parallel_loop3A_302 : vector<16xf32>
      %parallel_loop3A_323 = arith.mulf %parallel_loop3A_322, %get3A_57 : vector<16xf32>
      %parallel_loop3A_324 = arith.addf %parallel_loop3A_323, %get3A_97 : vector<16xf32>
      %parallel_loop3A_325 = arith.index_cast %parallel_loop3A_139 : i32 to index
      %parallel_loop3A_326 = arith.constant 32 : index
      %parallel_loop3A_327 = tpu.vector_load %arg10[%parallel_loop3A_325, %parallel_loop3A_326] {strides = array<i32>} : memref<256x128xf32, #tpu.memory_space<vmem>>, vector<1x16xf32>,
      %parallel_loop3A_328 = vector.shape_cast %parallel_loop3A_327 : vector<1x16xf32> to vector<16xf32>
      %parallel_loop3A_329 = vector.shape_cast %parallel_loop3A_324 : vector<16xf32> to vector<1x16xf32>
      tpu.vector_store %arg10[%parallel_loop3A_325, %parallel_loop3A_326], %parallel_loop3A_329 {strides = array<i32>} : memref<256x128xf32, #tpu.memory_space<vmem>>, vector<1x16xf32>,
      %parallel_loop3A_330 = arith.subf %parallel_loop3A_177, %parallel_loop3A_253 : vector<16xf32>
      %parallel_loop3A_331 = arith.mulf %parallel_loop3A_330, %parallel_loop3A_302 : vector<16xf32>
      %parallel_loop3A_332 = arith.mulf %parallel_loop3A_331, %get3A_62 : vector<16xf32>
      %parallel_loop3A_333 = arith.addf %parallel_loop3A_332, %get3A_102 : vector<16xf32>
      %parallel_loop3A_334 = arith.index_cast %parallel_loop3A_139 : i32 to index
      %parallel_loop3A_335 = arith.constant 48 : index
      %parallel_loop3A_336 = tpu.vector_load %arg10[%parallel_loop3A_334, %parallel_loop3A_335] {strides = array<i32>} : memref<256x128xf32, #tpu.memory_space<vmem>>, vector<1x16xf32>,
      %parallel_loop3A_337 = vector.shape_cast %parallel_loop3A_336 : vector<1x16xf32> to vector<16xf32>
      %parallel_loop3A_338 = vector.shape_cast %parallel_loop3A_333 : vector<16xf32> to vector<1x16xf32>
      tpu.vector_store %arg10[%parallel_loop3A_334, %parallel_loop3A_335], %parallel_loop3A_338 {strides = array<i32>} : memref<256x128xf32, #tpu.memory_space<vmem>>, vector<1x16xf32>,
      %parallel_loop3A_339 = arith.subf %parallel_loop3A_186, %parallel_loop3A_253 : vector<16xf32>
      %parallel_loop3A_340 = arith.mulf %parallel_loop3A_339, %parallel_loop3A_302 : vector<16xf32>
      %parallel_loop3A_341 = arith.mulf %parallel_loop3A_340, %get3A_67 : vector<16xf32>
      %parallel_loop3A_342 = arith.addf %parallel_loop3A_341, %get3A_107 : vector<16xf32>
      %parallel_loop3A_343 = arith.index_cast %parallel_loop3A_139 : i32 to index
      %parallel_loop3A_344 = arith.constant 64 : index
      %parallel_loop3A_345 = tpu.vector_load %arg10[%parallel_loop3A_343, %parallel_loop3A_344] {strides = array<i32>} : memref<256x128xf32, #tpu.memory_space<vmem>>, vector<1x16xf32>,
      %parallel_loop3A_346 = vector.shape_cast %parallel_loop3A_345 : vector<1x16xf32> to vector<16xf32>
      %parallel_loop3A_347 = vector.shape_cast %parallel_loop3A_342 : vector<16xf32> to vector<1x16xf32>
      tpu.vector_store %arg10[%parallel_loop3A_343, %parallel_loop3A_344], %parallel_loop3A_347 {strides = array<i32>} : memref<256x128xf32, #tpu.memory_space<vmem>>, vector<1x16xf32>,
      %parallel_loop3A_348 = arith.subf %parallel_loop3A_195, %parallel_loop3A_253 : vector<16xf32>
      %parallel_loop3A_349 = arith.mulf %parallel_loop3A_348, %parallel_loop3A_302 : vector<16xf32>
      %parallel_loop3A_350 = arith.mulf %parallel_loop3A_349, %get3A_72 : vector<16xf32>
      %parallel_loop3A_351 = arith.addf %parallel_loop3A_350, %get3A_112 : vector<16xf32>
      %parallel_loop3A_352 = arith.index_cast %parallel_loop3A_139 : i32 to index
      %parallel_loop3A_353 = arith.constant 80 : index
      %parallel_loop3A_354 = tpu.vector_load %arg10[%parallel_loop3A_352, %parallel_loop3A_353] {strides = array<i32>} : memref<256x128xf32, #tpu.memory_space<vmem>>, vector<1x16xf32>,
      %parallel_loop3A_355 = vector.shape_cast %parallel_loop3A_354 : vector<1x16xf32> to vector<16xf32>
      %parallel_loop3A_356 = vector.shape_cast %parallel_loop3A_351 : vector<16xf32> to vector<1x16xf32>
      tpu.vector_store %arg10[%parallel_loop3A_352, %parallel_loop3A_353], %parallel_loop3A_356 {strides = array<i32>} : memref<256x128xf32, #tpu.memory_space<vmem>>, vector<1x16xf32>,
      %parallel_loop3A_357 = arith.subf %parallel_loop3A_204, %parallel_loop3A_253 : vector<16xf32>
      %parallel_loop3A_358 = arith.mulf %parallel_loop3A_357, %parallel_loop3A_302 : vector<16xf32>
      %parallel_loop3A_359 = arith.mulf %parallel_loop3A_358, %get3A_77 : vector<16xf32>
      %parallel_loop3A_360 = arith.addf %parallel_loop3A_359, %get3A_117 : vector<16xf32>
      %parallel_loop3A_361 = arith.index_cast %parallel_loop3A_139 : i32 to index
      %parallel_loop3A_362 = arith.constant 96 : index
      %parallel_loop3A_363 = tpu.vector_load %arg10[%parallel_loop3A_361, %parallel_loop3A_362] {strides = array<i32>} : memref<256x128xf32, #tpu.memory_space<vmem>>, vector<1x16xf32>,
      %parallel_loop3A_364 = vector.shape_cast %parallel_loop3A_363 : vector<1x16xf32> to vector<16xf32>
      %parallel_loop3A_365 = vector.shape_cast %parallel_loop3A_360 : vector<16xf32> to vector<1x16xf32>
      tpu.vector_store %arg10[%parallel_loop3A_361, %parallel_loop3A_362], %parallel_loop3A_365 {strides = array<i32>} : memref<256x128xf32, #tpu.memory_space<vmem>>, vector<1x16xf32>,
      %parallel_loop3A_366 = arith.subf %parallel_loop3A_213, %parallel_loop3A_253 : vector<16xf32>
      %parallel_loop3A_367 = arith.mulf %parallel_loop3A_366, %parallel_loop3A_302 : vector<16xf32>
      %parallel_loop3A_368 = arith.mulf %parallel_loop3A_367, %get3A_82 : vector<16xf32>
      %parallel_loop3A_369 = arith.addf %parallel_loop3A_368, %get3A_122 : vector<16xf32>
      %parallel_loop3A_370 = arith.index_cast %parallel_loop3A_139 : i32 to index
      %parallel_loop3A_371 = arith.constant 112 : index
      %parallel_loop3A_372 = tpu.vector_load %arg10[%parallel_loop3A_370, %parallel_loop3A_371] {strides = array<i32>} : memref<256x128xf32, #tpu.memory_space<vmem>>, vector<1x16xf32>,
      %parallel_loop3A_373 = vector.shape_cast %parallel_loop3A_372 : vector<1x16xf32> to vector<16xf32>
      %parallel_loop3A_374 = vector.shape_cast %parallel_loop3A_369 : vector<16xf32> to vector<1x16xf32>
      tpu.vector_store %arg10[%parallel_loop3A_370, %parallel_loop3A_371], %parallel_loop3A_374 {strides = array<i32>} : memref<256x128xf32, #tpu.memory_space<vmem>>, vector<1x16xf32>,
    } {sc.loop_unroll_factor = 2 : i64, sc.parallel_access}
    %mul3A_137 = arith.constant 256 : i32
    %mul3A_138 = arith.muli %add3A, %mul3A_137 : i32
    "tpu.region"() ({
      %run_scoped3A_139 = tpu.sem_alloc : memref<!tpu.dma_semaphore, #tpu.memory_space<semaphore_mem>>
      %dma_start3A_140 = arith.constant 0 : i32
      %dma_start3A_141 = tpu.memref_slice %arg7[%mul3A_138, %dma_start3A_140] : memref<8192x128xf32, #tpu.memory_space<hbm>> -> memref<256x128xf32, #tpu.memory_space<hbm>>
      %dma_start3A_142 = arith.constant 0 : i32
      %dma_start3A_143 = tpu.memref_slice %arg7[%mul3A_138, %dma_start3A_142] : memref<8192x128xf32, #tpu.memory_space<hbm>> -> memref<256x128xf32, #tpu.memory_space<hbm>>
      tpu.enqueue_dma source(%arg10 : memref<256x128xf32, #tpu.memory_space<vmem>>) target(%dma_start3A_143 : memref<256x128xf32, #tpu.memory_space<hbm>>) target_semaphore(%run_scoped3A_139 : memref<!tpu.dma_semaphore, #tpu.memory_space<semaphore_mem>>)
      %dma_wait3A_144 = arith.constant 0 : i32
      %dma_wait3A_145 = tpu.memref_slice %arg7[%mul3A_138, %dma_wait3A_144] : memref<8192x128xf32, #tpu.memory_space<hbm>> -> memref<256x128xf32, #tpu.memory_space<hbm>>
      %dma_wait3A_146 = arith.constant 0 : i32
      %dma_wait3A_147 = tpu.memref_slice %arg7[%mul3A_138, %dma_wait3A_146] : memref<8192x128xf32, #tpu.memory_space<hbm>> -> memref<256x128xf32, #tpu.memory_space<hbm>>
      tpu.wait_dma2 semaphore(%run_scoped3A_139 : memref<!tpu.dma_semaphore, #tpu.memory_space<semaphore_mem>>) src(%arg10 : memref<256x128xf32, #tpu.memory_space<vmem>>) dst(%dma_wait3A_147 : memref<256x128xf32, #tpu.memory_space<hbm>>)
      tpu.yield
    }) : () -> ()
    return
  }
}

</mosaic_0001>

<sc_bundles>
// kernel: kernel.3.cloned.1.call-start
scs
__scs_entry_jumppad:
0x0: {  	(pc) =	sbr.rel $0x88, $3  }
0x1: {  	(tag) =	ssettag $0x0;
	lr =	simm.s32 $0x1  }
0x2: {  	[smem:$0x3F9C] =	sst lr;
	_ =	strace $0xD0000000  }
0x3: {  	_ = 	snop  }
0x4: {  	_ = 	snop  }
0x5: {  	_ = 	snop  }
0x6: {  	_ = 	snop  }
0x7: {  	_ = 	snop  }
__scs_overlays_trampoline_lowered:
0x8: {  	[smem:$0x3FAB] =	sst s0  }
0x9: {  	[smem:$0x3FAC] =	sst s1  }
0xa: {  	[smem:$0x3FAD] =	sst s2  }
0xb: {  	[smem:$0x3FAE] =	sst s3  }
0xc: {  	[smem:$0x3FAF] =	sst s4  }
0xd: {  	[smem:$0x3FB0] =	sst s5  }
0xe: {  	[smem:$0x3FB1] =	sst s6  }
0xf: {  	[smem:$0x3FB2] =	sst s7  }
0x10: {  	[smem:$0x3FB3] =	sst s8  }
0x11: {  	[smem:$0x3FB4] =	sst s9;
	s0 =	simm.s32 @!p0 $0x0  }
0x12: {  	s1 =	sld [smem:$0x3F9A];
	s0 =	simm.s32 @p0 $0x1  }
0x13: {  	[smem:$0x3FB5] =	sst s0;
	s0 =	simm.s32 @!p1 $0x0  }
0x14: {  	s2 =	sld [smem:$0x3F99];
	s0 =	simm.s32 @p1 $0x1  }
0x15: {  	[smem:$0x3FB6] =	sst s0;
	s0 =	simm.s32 @!p2 $0x0  }
0x16: {  	s3 =	sld [smem:$0x3FDB];
	s0 =	simm.s32 @p2 $0x1  }
0x17: {  	s4 =	simm.s32 $0x1BF5;
	[smem:$0x3FB8] =	sst s0  }
0x18: {  	s0 =	sld [smem:$0x3F9B];
	_ =	swait.ge [sflag:s4], $0x0  }
0x19: {  	s7 =	sld [smem:$0x3F9C]  }
0x1a: {  	s8 =	sadd.s32 $0xFFFFE003, lr  }
0x1b: {  	s9 =	sadd.s32 $0xFFFFFEF7, lr;
	s5 =	simm.s32 $0xFFFFFFFF;
	p2 =	slt.u32 s8, $0xFFFFF086  }
0x1c: {  	p1 =	slt.u32 s9, $0xF7A;
	s5 =	simm.s32 @!p2 $0x0  }
0x1d: {  	s5 =	simm.s32 @p1 $0x1;
	p0 =	seq.s32 s7, s2  }
0x1e: {  	s7 =	smul.u32 @!p0 $0xF7A, s2;
	p2 =	seq.s32 @!p0 s5, $0x0  }
0x1f: {  	s9 =	smul.u32 $0xF7A, s1;
	s8 =	simm.s32 @!p0 $0x1BF5;
	p2 =	por !p2, p0  }
0x20: {  	[sflag:s8] =	ssyncset.s32 @!p0 $0xFFFFF086;
	s6 =	sadd.s32 @!p0 s3, s7;
	s7 =	simm.s32 @!p0 $0x108  }
0x21: {  	s3 =	sadd.s32 s3, s9;
	s6 =	sadd.s32 @!p0 $0x88, s6;
	s7 =	simm.s32 @p2 $0x1082  }
0x22: {  	[simem:s7], [sflag:s8] =	dma.local @!p0 [hbm:s6], $0xF7A  }
0x23: {  	s9 =	sor.u32 $0xD0000000, s2;
	s6 =	simm.s32 $0x108;
	_ =	swait.ge @!p0 [sflag:s8], $0x0  }
0x24: {  	s3 =	sadd.s32 $0x88, s3;
	s6 =	simm.s32 @!p1 $0x1082;
	[sflag:s4] =	ssyncset.s32 $0xFFFFF086  }
0x25: {  	[simem:s6], [sflag:s4] =	dma.local [hbm:s3], $0xF7A  }
0x26: {  	[smem:$0x3F9C] =	sst s1;
	(tag) =	ssettag s2;
	_ =	strace s9  }
0x27: {  	s1 =	sld [smem:$0x3FAC]  }
0x28: {  	s2 =	sld [smem:$0x3FAD]  }
0x29: {  	s4 =	sld [smem:$0x3FAF]  }
0x2a: {  	p0 =	seq.s32 s5, $0x0;
	s5 =	sld [smem:$0x3FB0]  }
0x2b: {  	s6 =	sld [smem:$0x3FB1]  }
0x2c: {  	s7 =	sld [smem:$0x3FB2]  }
0x2d: {  	s3 =	simm.s32 $0x108;
	s8 =	sld [smem:$0x3FB3]  }
0x2e: {  	s3 =	simm.s32 @!p0 $0x1082;
	s9 =	sld [smem:$0x3FB4]  }
0x2f: {  	lr =	sadd.s32 s0, s3;
	s0 =	sld [smem:$0x3FAB]  }
0x30: {  	s3 =	sld [smem:$0x3FAE]  }
0x31: {  	[smem:$0x3FB7] =	sst s10  }
0x32: {  	s10 =	sld [smem:$0x3FB5];
	_ =	sdelay $0x3  }
0x33: {  	p0 =	seq.s32 s10, $0x1;
	s10 =	sld [smem:$0x3FB7];
	_ =	sdelay $0x3  }
0x34: {  	[smem:$0x3FB7] =	sst s10  }
0x35: {  	s10 =	sld [smem:$0x3FB6];
	_ =	sdelay $0x3  }
0x36: {  	p1 =	seq.s32 s10, $0x1;
	s10 =	sld [smem:$0x3FB7];
	_ =	sdelay $0x3  }
0x37: {  	[smem:$0x3FB7] =	sst s10  }
0x38: {  	s10 =	sld [smem:$0x3FB8]  }
0x39: {  	_ = 	snop;
	(pc) =	sbr.ind lr, $3  }
0x3a: {  	_ = 	snop  }
0x3b: {  	_ = 	snop  }
0x3c: {  	p2 =	seq.s32 s10, $0x1;
	s10 =	sld [smem:$0x3FB7]  }
0x3d: {  	_ =	shalt  }
0x3e: {  	_ =	shalt  }
0x3f: {  	_ =	shalt  }
0x40: {  	_ =	shalt  }
0x41: {  	_ =	shalt  }
0x42: {  	_ =	shalt  }
0x43: {  	_ =	shalt  }
0x44: {  	_ =	shalt  }
0x45: {  	_ =	shalt  }
0x46: {  	_ =	shalt  }
0x47: {  	_ =	shalt  }
0x48: {  	_ =	shalt  }
0x49: {  	_ =	shalt  }
0x4a: {  	_ =	shalt  }
0x4b: {  	_ =	shalt  }
0x4c: {  	_ =	shalt  }
0x4d: {  	_ =	shalt  }
0x4e: {  	_ =	shalt  }
0x4f: {  	_ =	shalt  }
0x50: {  	_ =	shalt  }
0x51: {  	_ =	shalt  }
0x52: {  	_ =	shalt  }
0x53: {  	_ =	shalt  }
0x54: {  	_ =	shalt  }
0x55: {  	_ =	shalt  }
0x56: {  	_ =	shalt  }
0x57: {  	_ =	shalt  }
0x58: {  	_ =	shalt  }
0x59: {  	_ =	shalt  }
0x5a: {  	_ =	shalt  }
0x5b: {  	_ =	shalt  }
0x5c: {  	_ =	shalt  }
0x5d: {  	_ =	shalt  }
0x5e: {  	_ =	shalt  }
0x5f: {  	_ =	shalt  }
0x60: {  	_ =	shalt  }
0x61: {  	_ =	shalt  }
0x62: {  	_ =	shalt  }
0x63: {  	_ =	shalt  }
0x64: {  	_ =	shalt  }
0x65: {  	_ =	shalt  }
0x66: {  	_ =	shalt  }
0x67: {  	_ =	shalt  }
0x68: {  	_ =	shalt  }
0x69: {  	_ =	shalt  }
0x6a: {  	_ =	shalt  }
0x6b: {  	_ =	shalt  }
0x6c: {  	_ =	shalt  }
0x6d: {  	_ =	shalt  }
0x6e: {  	_ =	shalt  }
0x6f: {  	_ =	shalt  }
0x70: {  	_ =	shalt  }
0x71: {  	_ =	shalt  }
0x72: {  	_ =	shalt  }
0x73: {  	_ =	shalt  }
0x74: {  	_ =	shalt  }
0x75: {  	_ =	shalt  }
0x76: {  	_ =	shalt  }
0x77: {  	_ =	shalt  }
0x78: {  	_ =	shalt  }
0x79: {  	_ =	shalt  }
0x7a: {  	_ =	shalt  }
0x7b: {  	_ =	shalt  }
0x7c: {  	_ =	shalt  }
0x7d: {  	_ =	shalt  }
0x7e: {  	_ =	shalt  }
0x7f: {  	_ =	shalt  }
0x80: {  	_ =	shalt  }
0x81: {  	_ =	shalt  }
0x82: {  	_ =	shalt  }
0x83: {  	_ =	shalt  }
0x84: {  	_ =	shalt  }
0x85: {  	_ =	shalt  }
0x86: {  	_ =	shalt  }
0x87: {  	_ =	shalt  }
.Lfunc_end0:
.L_simem_size_0:
called_computation_lowered:
.L_overlay_start_0:
0x88: {  	s2 =	sld [smem:$0x3FD9]  }
0x89: {  	s3 =	sld [smem:$0x3FFE];
	_ =	sdelay $0x1  }
0x8a: {  	s1 =	srdreg.scid  }
0x8b: {  	s0 =	sand.u32 $0x1, s1  }
0x8c: {  	s17 =	sshll.u32 s0, $0xA;
	s2 =	sadd.s32 s3, s2  }
0x8d: {  	s2 =	sadd.s32 s2, s17  }
0x8e: {  	[smem:$0x3FC3] =	sst s2  }
0x8f: {  	_ = 	snop  }
0x90: {  	s2 =	sld [smem:$0x3FC8]  }
0x91: {  	s18 =	sld [smem:$0x3FC7]  }
0x92: {  	s4 =	sld [smem:$0x3FC6]  }
0x93: {  	s5 =	sld [smem:$0x3FC5]  }
0x94: {  	s6 =	sld [smem:$0x3FD0];
	(tm) =	ssettm $0x1  }
0x95: {  	s7 =	sld [smem:$0x3FFB];
	_ =	sdelay $0x3  }
0x96: {  	_ =	strace s7  }
0x97: {  	s7 =	sld [smem:$0x3FFC];
	_ =	sdelay $0x3  }
0x98: {  	_ =	strace s7  }
0x99: {  	s7 =	sld [smem:$0x3FFD];
	_ =	sdelay $0x3  }
0x9a: {  	_ =	strace s7  }
0x9b: {  	_ =	strace $0x8FFFFFFF  }
0x9c: {  	s19 =	sld [smem:$0x3FDB];
	_ =	sdelay $0x1  }
0x9d: {  	s8 =	simm.s32 $_scs_section_size  }
0x9e: {  	s9 =	simm.s32 $_size__tile_overlayer_lowered;
	s10 =	simm.s32 $_tile_overlayer_lowered  }
0x9f: {  	s22 =	simm.s32 $0x1BFF;
	s21 =	sshll.u32 s10, $0x1;
	s7 =	sadd.s32 s8, s19  }
0xa0: {  	s11 =	simm.s32 $0x0;
	s20 =	sshll.u32 s9, $0x1;
	s9 =	sadd.s32 s21, s7  }
0xa1: {  	[timem:s11], [sflag:s22] =	dma.local [hbm:s9], s20  }
0xa2: {  	_ =	swait.ge [sflag:s22], s20  }
0xa3: {  	s8 =	ssub.s32 $0x0, s20;
	[sflag:s22] =	ssyncset.done $0x0  }
0xa4: {  	[sflag:s22] =	ssyncadd.s32 s8;
	_ =	sdelay $0x1  }
0xa5: {  	s23 =	simm.s32 $0x1B8B  }
0xa6: {  	_ =	swait.ge [sflag:s23], $0x1  }
0xa7: {  	[sflag:s23] =	ssyncset.done $0x0  }
0xa8: {  	s25 =	simm.s32 $0x1B8E;
	s24 =	sld [smem:$0x3FFE];
	[sflag:s23] =	ssyncadd.s32 $0xFFFFFFFF  }
0xa9: {  	s26 =	simm.s32 $execute0_lowered;
	[smem:$0x3FD2] =	sst s25  }
0xaa: {  	s9 =	sshll.u32 s26, $0x1;
	_ =	strace $0x80000046;
	[dreg:$0x1] =	wrdreg $0xFFFFFFFF  }
0xab: {  	s28 =	simm.s32 $_size_execute0_lowered;
	s7 =	sadd.s32 s7, s9;
	[dreg:$0x0] =	wrdreg $0x0  }
0xac: {  	s9 =	sshll.u32 s28, $0x1;
	[dreg:$0x2] =	wrdreg s7  }
0xad: {  	[dreg:$0x3] =	wrdreg s9  }
0xae: {  	[dreg:$0x4] =	wrdreg $0xC0  }
0xaf: {  	_ =	task [dreg:s11], $0x5FFFF  }
0xb0: {  	[dreg:$0x1] =	wrdreg $0xFFFFFFFF  }
0xb1: {  	[dreg:$0x0] =	wrdreg $0x60  }
0xb2: {  	[dreg:$0x2] =	wrdreg s2  }
0xb3: {  	[dreg:$0x3] =	wrdreg s24  }
0xb4: {  	[dreg:$0x4] =	wrdreg s18  }
0xb5: {  	[dreg:$0x5] =	wrdreg s4  }
0xb6: {  	[dreg:$0x6] =	wrdreg s5  }
0xb7: {  	[dreg:$0x7] =	wrdreg s6  }
0xb8: {  	[dreg:$0x8] =	wrdreg $0x9  }
0xb9: {  	_ =	task.clear_ibuf [dreg:s11], $0x9FFFF;
	_ =	strace $0x90000046  }
0xba: {  	s29 =	simm.s32 $0x9;
	_ =	strace $0x80000048  }
0xbb: {  	_ =	swait.ge [sflag:s29], $0x1  }
0xbc: {  	[sflag:s29] =	ssyncadd.s32 $0xFFFFFFFF  }
0xbd: {  	_ =	strace $0x90000048  }
0xbe: {  	_ =	sfence  }
0xbf: {  	s30 =	sld [smem:$0x0];
	_ =	sdelay $0x2  }
0xc0: {  	s31 =	sshll.u32 s1, $0xD;
	s1 =	sshrl.u32 s1, $0x2  }
0xc1: {  	s3 =	sand.u32 $0x4000, s31;
	s1 =	sadd.s32 s1, s30  }
0xc2: {  	s0 =	sor.u32 s3, s0;
	s1 =	sshll.u32 s1, $0x11  }
0xc3: {  	s0 =	sor.u32 s1, s0  }
0xc4: {  	s0 =	sadd.s32 $0x8F2B, s0  }
0xc5: {  	[sflag:s0] =	ssyncadd.remote.s32 $0x1  }
0xc6: {  	_ =	sfence.sel $0xFFFF  }
0xc7: {  	[dreg:$0x0] =	wrdreg $0xFFFFFFFF;
	(pc) =	sbr.abs _section_cstart, $3  }
0xc8: {  	[dreg:$0x1] =	wrdreg $0xFFFFFFFF  }
0xc9: {  	_ =	task.clear_ibuf [dreg:s11], $0x2FFFF;
	_ =	strace $0x9FFFFFFF  }
0xca: {  	(tm) =	ssettm $0x7FFFFFFF  }
0xcb: {  	_ =	shalt  }
tec
execute0_lowered:
.L_overlay_start_1:
0x0: {  	(tag) =	ssettag $0x1  }
0x1: {  	s0 =	rddreg [dreg:$0x0]  }
0x2: {  	s6 =	rddreg [dreg:$0x1]  }
0x3: {  	s7 =	rddreg [dreg:$0x2]  }
0x4: {  	s1 =	rddreg [dreg:$0x3]  }
0x5: {  	s3 =	rddreg [dreg:$0x4]  }
0x6: {  	v0 =	vimm.s32 $0xEFCDAB89;
	s8 =	rddreg [dreg:$0x5]  }
0x7: {  	v1 =	vimm.s32 $0x67452301;
	v2 =	vimm.s32 $0xDCFE98BA;
	s2 =	rddreg [dreg:$0x6];
	v3 =	vimm.s32 $0x54761032  }
0x8: {  	s9 =	srdreg.scid;
	s4 =	stileid.u32;
	v4 =	vimm.s32 $0xBA98FEDC;
	v5 =	vimm.s32 $0x32107654;
	v6 =	vimm.s32 $0xFEDCBA98  }
0x9: {  	s5 =	simm.s32 $0x0;
	v7 =	vimm.s32 $0x76543210;
	s13 =	simm.s32 $0x4100;
	s14 =	simm.s32 $0x10100;
	v0 =	vunpack.c.l.s4.s8 v0;
	v1 =	vunpack.c.l.s4.s8 v1  }
0xa: {  	s15 =	simm.s32 $0x12100;
	s16 =	simm.s32 $0x12180;
	s17 =	simm.s32 $0x1;
	v2 =	vunpack.c.l.s4.s8 v2;
	v3 =	vunpack.c.l.s4.s8 v3;
	v4 =	vunpack.c.l.s4.s8 v4  }
0xb: {  	s18 =	simm.s32 $0x8100;
	s9 =	sand.u32 $0x1, s9;
	s10 =	sshll.u32 s4, $0x1;
	v5 =	vunpack.c.l.s4.s8 v5;
	v6 =	vunpack.c.l.s4.s8 v6;
	v7 =	vunpack.c.l.s4.s8 v7  }
0xc: {  	s19 =	simm.s32 $0x0;
	[smem:$0x7FF] =	sst s5;
	s10 =	sor.u32 s9, s10;
	v0 =	vunpack.c.0.s8.s32 v0;
	v1 =	vunpack.c.0.s8.s32 v1;
	v2 =	vunpack.c.0.s8.s32 v2  }
0xd: {  	s9 =	ssub.s32 $0x2, s9;
	_ =	strace $0x80000047;
	s11 =	sshll.u32 s10, $0x5;
	v3 =	vunpack.c.0.s8.s32 v3;
	v4 =	vunpack.c.0.s8.s32 v4;
	v5 =	vunpack.c.0.s8.s32 v5  }
0xe: {  	s12 =	sshrl.u32 s9, $0x1;
	s31 =	sshll.u32 s10, $0xA;
	s10 =	sshll.u32 s10, $0xC;
	v0 =	vcombine.low v1, v0;
	v1 =	vunpack.c.0.s8.s32 v6  }
0xf: {  	s6 =	sadd.s32 s11, s6;
	s9 =	ssub.s32 s9, s12;
	s7 =	sadd.s32 s7, s31;
	v2 =	vcombine.low v3, v2;
	v3 =	vcombine.low v5, v4;
	v4 =	vunpack.c.0.s8.s32 v7  }
0x10: {  	s8 =	sadd.s32 s8, s10;
	s10 =	simm.s32 $0x2;
	s11 =	simm.s32 $0x80;
	v0 =	vand.u32 $0xF, v0;
	v5 =	vand.u32 $0xF, v1  }
0x11: {  	s12 =	simm.s32 $0x100;
	s6 =	sadd.s32 $0x400, s6;
	s9 =	smax.u32 s9, $0x1;
	v1 =	vand.u32 $0xF, v2;
	v2 =	vand.u32 $0xF, v3;
	v3 =	vcombine.low v5, v4  }
.LBB2_1:
0x12: {  	[tilespmem:s5], [sflag:$0x2] =	stream.linear.gather [hbm4b:s6+s5], $0x100, $0x38;
	[tilespmem:$0x12200] =	vst v63  }
0x13: {  	_ =	swait.ge [sflag:s10], $0x100  }
0x14: {  	[sflag:s10] =	ssyncset.done $0x0  }
0x15: {  	[sflag:s10] =	ssyncadd.s32 $0xFFFFFF00  }
0x16: {  	[tilespmem:s12], [sflag:$0x1] =	stream.indirect.gather [hbm4b:s0+s11], $0x80, s5, s11, $0xb8;
	[tilespmem:$0x12200] =	vst v63  }
0x17: {  	_ = 	snop  }
0x18: {  	[tilespmem:s13], [sflag:$0x1] =	stream.indirect.gather [hbm4b:s0+s11], $0x80, s11, s11, $0xb8;
	[tilespmem:$0x12200] =	vst v63  }
0x19: {  	_ = 	snop  }
0x1a: {  	[tilespmem:s14], [sflag:$0x2] =	stream.linear.gather [hbm4b:s7+s5], $0x2000, $0x38;
	[tilespmem:$0x12200] =	vst v63  }
0x1b: {  	_ =	swait.ge [sflag:s10], $0x2000  }
0x1c: {  	[sflag:s10] =	ssyncset.done $0x0  }
0x1d: {  	[sflag:s10] =	ssyncadd.s32 $0xFFFFE000  }
0x1e: {  	[tilespmem:s15], [sflag:$0x2] =	stream.linear.gather [hbm4b:s1+s5], $0x80, $0x38;
	[tilespmem:$0x12200] =	vst v63  }
0x1f: {  	_ =	swait.ge [sflag:s10], $0x80  }
0x20: {  	[sflag:s10] =	ssyncset.done $0x0  }
0x21: {  	[sflag:s10] =	ssyncadd.s32 $0xFFFFFF80  }
0x22: {  	[tilespmem:s16], [sflag:$0x2] =	stream.linear.gather [hbm4b:s3+s5], $0x80, $0x38;
	[tilespmem:$0x12200] =	vst v63  }
0x23: {  	_ =	swait.ge [sflag:s10], $0x80  }
0x24: {  	[sflag:s10] =	ssyncset.done $0x0  }
0x25: {  	[sflag:s10] =	ssyncadd.s32 $0xFFFFFF80  }
0x26: {  	_ =	swait.ge [sflag:s17], $0x4000  }
0x27: {  	[sflag:s17] =	ssyncset.done $0x0  }
0x28: {  	[sflag:s17] =	ssyncadd.s32 $0xFFFFC000  }
0x29: {  	_ =	swait.ge [sflag:s17], $0x4000  }
0x2a: {  	[sflag:s17] =	ssyncset.done $0x0  }
0x2b: {  	s20 =	simm.s32 $0x180;
	[sflag:s17] =	ssyncadd.s32 $0xFFFFC000  }
0x2c: {  	v4 =	vld [tilespmem:s20+$0x0]  }
0x2d: {  	v5 =	vld [tilespmem:s20+$0x10]  }
0x2e: {  	v6 =	vld [tilespmem:s20+$0x20]  }
0x2f: {  	v7 =	vld [tilespmem:s20+$0x30]  }
0x30: {  	v8 =	vld [tilespmem:s20+$0x40]  }
0x31: {  	v11 =	vld [tilespmem:s20+$0x50]  }
0x32: {  	v12 =	vld [tilespmem:s20+$0x60]  }
0x33: {  	s21 =	sand.u32 $0x1F80, s5;
	v13 =	vld [tilespmem:s20+$0x70]  }
0x34: {  	v14 =	vld [tilespmem:s21+$0x10100]  }
0x35: {  	v15 =	vld [tilespmem:s21+$0x10110]  }
0x36: {  	v16 =	vld [tilespmem:s21+$0x10120]  }
0x37: {  	s22 =	sor.u32 $0x40, s5;
	v17 =	vld [tilespmem:s21+$0x10130]  }
0x38: {  	s23 =	sor.u32 $0x50, s5;
	v18 =	vld [tilespmem:s22+$0x10100]  }
0x39: {  	s24 =	sor.u32 $0x60, s5;
	v19 =	vld [tilespmem:s23+$0x10100]  }
0x3a: {  	s25 =	sor.u32 $0x70, s5;
	v20 =	vld [tilespmem:s24+$0x10100]  }
0x3b: {  	v21 =	vld [tilespmem:s25+$0x10100];
	_ =	sdelay $0x1  }
0x3c: {  	v22 =	vadd.f32 v4, v14;
	v23 =	vadd.f32 v5, v15  }
0x3d: {  	v24 =	vadd.f32 v6, v16;
	v10 =	vadd.f32 v7, v17  }
0x3e: {  	v9 =	vadd.f32 v8, v18;
	v8 =	vadd.f32 v11, v19  }
0x3f: {  	v55 =	vadd.f32 v12, v20;
	v56 =	vadd.f32 v13, v21  }
0x40: {  	v4 =	vadd.f32 v23, v22;
	v5 =	vadd.f32 v10, v24;
	v11 =	vmul.f32 v22, v22  }
0x41: {  	v13 =	vadd.f32 v8, v9;
	v25 =	vmul.f32 v23, v23;
	v26 =	vmul.f32 v24, v24  }
0x42: {  	v34 =	vld [tilespmem:s20+$0xFFFFFF80];
	v28 =	vadd.f32 v56, v55;
	v29 =	vmul.f32 v10, v10;
	v30 =	vmul.f32 v9, v9  }
0x43: {  	v27 =	vld [tilespmem:s20+$0xFFFFFFA0];
	v32 =	vmul.f32 v8, v8;
	v33 =	vmul.f32 v55, v55  }
0x44: {  	v12 =	vld [tilespmem:s20+$0xFFFFFF90];
	v4 =	vadd.f32 v5, v4;
	v5 =	vadd.f32 v28, v13;
	v13 =	vmul.f32 v56, v56  }
0x45: {  	v31 =	vld [tilespmem:s20+$0xFFFFFFB0];
	v11 =	vadd.f32 v25, v11;
	v25 =	vadd.f32 v29, v26  }
0x46: {  	v28 =	vld [tilespmem:s20+$0xFFFFFFC0];
	v29 =	vadd.f32 v32, v30;
	v13 =	vadd.f32 v13, v33  }
0x47: {  	v14 =	vadd.f32 v14, v34;
	v26 =	vld [tilespmem:s20+$0xFFFFFFD0];
	v4 =	vadd.f32 v5, v4  }
0x48: {  	v30 =	vld [tilespmem:s20+$0xFFFFFFE0];
	v11 =	vadd.f32 v25, v11;
	v13 =	vadd.f32 v13, v29  }
0x49: {  	v16 =	vadd.f32 v16, v27;
	v12 =	vadd.f32 v15, v12;
	v5 =	vld [tilespmem:s20+$0xFFFFFFF0]  }
0x4a: {  	v17 =	vadd.f32 v17, v31;
	v11 =	vadd.f32 v13, v11;
	v13 =	vperm.xlane v4, v0  }
0x4b: {  	v25 =	vmul.f32 v14, v14;
	v15 =	vmul.f32 v12, v12;
	v27 =	vadd.f32 v18, v28  }
0x4c: {  	v26 =	vadd.f32 v19, v26;
	v4 =	vadd.f32 v4, v13;
	v13 =	vperm.xlane v11, v0  }
0x4d: {  	v20 =	vadd.f32 v20, v30;
	v18 =	vmul.f32 v16, v16;
	v15 =	vadd.f32 v15, v25  }
0x4e: {  	v28 =	vadd.f32 v21, v5;
	v19 =	vperm.xlane v4, v1;
	v11 =	vadd.f32 v13, v11  }
0x4f: {  	v5 =	vadd.f32 v12, v14;
	v21 =	vmul.f32 v17, v17;
	v29 =	vadd.f32 v26, v27  }
0x50: {  	v13 =	vadd.f32 v17, v16;
	v4 =	vadd.f32 v4, v19;
	v19 =	vperm.xlane v11, v1  }
0x51: {  	v30 =	vmul.f32 v27, v27;
	v57 =	vmul.f32 v26, v26;
	v31 =	vadd.f32 v28, v20  }
0x52: {  	v5 =	vadd.f32 v13, v5;
	v13 =	vperm.xlane v4, v2;
	v11 =	vadd.f32 v19, v11  }
0x53: {  	v58 =	vmul.f32 v20, v20;
	v19 =	vadd.f32 v31, v29;
	v29 =	vmul.f32 v28, v28  }
0x54: {  	v18 =	vadd.f32 v21, v18;
	v4 =	vadd.f32 v4, v13;
	v13 =	vperm.xlane v11, v2  }
0x55: {  	v21 =	vadd.f32 v57, v30;
	v25 =	vadd.f32 v29, v58  }
0x56: {  	v5 =	vadd.f32 v19, v5;
	v19 =	vperm.xlane v4, v3;
	v11 =	vadd.f32 v13, v11  }
0x57: {  	v13 =	vadd.f32 v18, v15;
	v15 =	vadd.f32 v25, v21  }
0x58: {  	v4 =	vadd.f32 v4, v19;
	v18 =	vperm.xlane v11, v3  }
0x59: {  	v19 =	vperm.xlane v5, v0;
	v13 =	vadd.f32 v15, v13  }
0x5a: {  	v15 =	vmul.f32 $7.812500000e-03, v4;
	v4 =	vadd.f32 v18, v11  }
0x5b: {  	v5 =	vadd.f32 v5, v19;
	v11 =	vperm.xlane v13, v0  }
0x5c: {  	v4 =	vmul.f32 $7.812500000e-03, v4;
	v18 =	vmul.f32 v15, v15  }
0x5d: {  	v19 =	vperm.xlane v5, v1;
	v11 =	vadd.f32 v11, v13  }
0x5e: {  	v4 =	vsub.f32 v4, v18  }
0x5f: {  	v5 =	vadd.f32 v5, v19;
	v13 =	vperm.xlane v11, v1  }
0x60: {  	v4 =	vadd.f32 $9.999999740e-06, v4  }
0x61: {  	v18 =	vperm.xlane v5, v2;
	v11 =	vadd.f32 v13, v11  }
0x62: {  	s26 =	simm.s32 $0x280;
	s20 =	simm.s32 $0x40;
	v13 =	vshra.s32 v4, $0x1;
	v19 =	vmul.f32 $5.000000000e-01, v4  }
0x63: {  	v60 =	vld [tilespmem:s26+$0x20];
	s22 =	sand.u32 $0x1F80, s20;
	v18 =	vadd.f32 v5, v18;
	v4 =	vperm.xlane v11, v2;
	v13 =	vsub.s32 $0x5F3759DF, v13  }
0x64: {  	v44 =	vld [tilespmem:s22+$0x10100];
	v21 =	vmul.f32 v13, v19  }
0x65: {  	v47 =	vld [tilespmem:s22+$0x10120];
	v25 =	vperm.xlane v18, v3;
	v11 =	vadd.f32 v4, v11  }
0x66: {  	v31 =	vld [tilespmem:s26+$0x0];
	v21 =	vmul.f32 v13, v21  }
0x67: {  	v18 =	vadd.f32 v18, v25;
	v25 =	vperm.xlane v11, v3  }
0x68: {  	v21 =	vsub.f32 $1.500000000e+00, v21  }
0x69: {  	v30 =	vmul.f32 $7.812500000e-03, v18;
	v11 =	vadd.f32 v25, v11  }
0x6a: {  	v59 =	vld [tilespmem:s26+$0x10];
	v38 =	vadd.f32 v60, v47;
	v13 =	vmul.f32 v13, v21  }
0x6b: {  	v35 =	vld [tilespmem:s26+$0x30];
	v34 =	vadd.f32 v31, v44;
	v18 =	vmul.f32 v30, v30;
	v11 =	vmul.f32 $7.812500000e-03, v11  }
0x6c: {  	v36 =	vld [tilespmem:s26+$0x40];
	v37 =	vsub.f32 v22, v15;
	v39 =	vsub.f32 v23, v15;
	v19 =	vmul.f32 v13, v19  }
0x6d: {  	v40 =	vld [tilespmem:s26+$0x50];
	v41 =	vsub.f32 v24, v15;
	v11 =	vsub.f32 v11, v18  }
0x6e: {  	v42 =	vld [tilespmem:s26+$0x60];
	v10 =	vsub.f32 v10, v15;
	v9 =	vsub.f32 v9, v15;
	v18 =	vmul.f32 v19, v13  }
0x6f: {  	v43 =	vld [tilespmem:s26+$0x70];
	v8 =	vsub.f32 v8, v15;
	v11 =	vadd.f32 $9.999999740e-06, v11  }
0x70: {  	v7 =	vsub.f32 v56, v15;
	v5 =	vld [tilespmem:$0x12170];
	v18 =	vsub.f32 $1.500000000e+00, v18  }
0x71: {  	s29 =	sor.u32 $0x50, s20;
	v15 =	vsub.f32 v55, v15;
	v4 =	vld [tilespmem:$0x121F0];
	v19 =	vshra.s32 v11, $0x1;
	v45 =	vmul.f32 $5.000000000e-01, v11  }
0x72: {  	v24 =	vsub.f32 v16, v30;
	v16 =	vld [tilespmem:s29+$0x10100];
	v46 =	vsub.s32 $0x5F3759DF, v19;
	v13 =	vmul.f32 v18, v13  }
0x73: {  	s28 =	sor.u32 $0x40, s20;
	v29 =	vsub.f32 v17, v30;
	v21 =	vsub.f32 v27, v30;
	v11 =	vld [tilespmem:s22+$0x10110];
	v61 =	vmul.f32 v46, v45  }
0x74: {  	v25 =	vsub.f32 v26, v30;
	v19 =	vsub.f32 v12, v30;
	v12 =	vld [tilespmem:s28+$0x10100];
	v7 =	vmul.f32 v13, v7  }
0x75: {  	s30 =	sor.u32 $0x60, s20;
	v18 =	vsub.f32 v14, v30;
	v14 =	vld [tilespmem:s22+$0x10130];
	[tilespmem:$0x1FFA0] =	vst v5;
	v6 =	vmul.f32 v46, v61;
	v48 =	vmul.f32 v13, v37  }
0x76: {  	s31 =	sor.u32 $0x70, s20;
	v22 =	vsub.f32 v20, v30;
	v17 =	vld [tilespmem:s30+$0x10100];
	v32 =	vmul.f32 v13, v39;
	v49 =	vmul.f32 v13, v41  }
0x77: {  	v23 =	vsub.f32 v28, v30;
	v27 =	vld [tilespmem:s31+$0x10100];
	[tilespmem:$0x1FFB0] =	vst v4;
	v50 =	vmul.f32 v13, v10;
	v61 =	vmul.f32 v38, v38  }
0x78: {  	v62 =	vld [tilespmem:s26+$0xFFFFFF90];
	v57 =	vmul.f32 v13, v9;
	v37 =	vadd.f32 v59, v11;
	v6 =	vsub.f32 $1.500000000e+00, v6  }
0x79: {  	v51 =	vld [tilespmem:s26+$0xFFFFFF80];
	v7 =	vmul.f32 v7, v5;
	v39 =	vadd.f32 v36, v12;
	v36 =	vadd.f32 v40, v16  }
0x7a: {  	v58 =	vld [tilespmem:s26+$0xFFFFFFF0];
	v40 =	vmul.f32 v34, v34;
	v35 =	vadd.f32 v35, v14;
	v10 =	vadd.f32 v37, v34  }
0x7b: {  	v60 =	vmul.f32 v37, v37;
	v30 =	vadd.f32 v7, v4;
	v33 =	vadd.f32 v42, v17  }
0x7c: {  	v26 =	vld [tilespmem:s26+$0xFFFFFFA0];
	v20 =	vadd.f32 v43, v27;
	v63 =	vadd.f32 v36, v39;
	v55 =	vmul.f32 v39, v39  }
0x7d: {  	v53 =	vld [tilespmem:s26+$0xFFFFFFB0];
	v46 =	vmul.f32 v46, v6;
	v28 =	vadd.f32 v35, v38;
	v31 =	vadd.f32 v11, v62  }
0x7e: {  	v9 =	vld [tilespmem:s26+$0xFFFFFFE0];
	v54 =	vmul.f32 v35, v35;
	v42 =	vadd.f32 v60, v40;
	v52 =	vadd.f32 v20, v33  }
0x7f: {  	v5 =	vld [tilespmem:$0x12110];
	v11 =	vmul.f32 v36, v36;
	v40 =	vadd.f32 v44, v51;
	v27 =	vadd.f32 v27, v58  }
0x80: {  	v62 =	vld [tilespmem:s26+$0xFFFFFFC0];
	v56 =	vmul.f32 v33, v33;
	v41 =	vadd.f32 v52, v63;
	v63 =	vmul.f32 v20, v20  }
0x81: {  	v44 =	vmul.f32 v13, v8;
	v10 =	vadd.f32 v28, v10;
	v28 =	vld [tilespmem:s26+$0xFFFFFFD0];
	v43 =	vadd.f32 v54, v61  }
0x82: {  	v45 =	vmul.f32 v46, v45;
	v11 =	vadd.f32 v11, v55;
	v52 =	vadd.f32 v63, v56  }
0x83: {  	v51 =	vmul.f32 v31, v31;
	v8 =	vadd.f32 v41, v10;
	v10 =	vadd.f32 v43, v42  }
0x84: {  	v32 =	vmul.f32 v32, v5;
	v43 =	vadd.f32 v47, v26;
	v41 =	vadd.f32 v14, v53  }
0x85: {  	v14 =	vmul.f32 v40, v40;
	v42 =	vadd.f32 v12, v62;
	v26 =	vadd.f32 v17, v9  }
0x86: {  	v11 =	vadd.f32 v52, v11;
	v28 =	vadd.f32 v16, v28;
	v9 =	vmul.f32 v43, v43  }
0x87: {  	v12 =	vadd.f32 v41, v43;
	v16 =	vmul.f32 v41, v41;
	v52 =	vmul.f32 v42, v42  }
0x88: {  	v53 =	vadd.f32 v27, v26;
	v59 =	vadd.f32 v11, v10;
	v10 =	vperm.xlane v8, v0  }
0x89: {  	v62 =	vmul.f32 v26, v26;
	v14 =	vadd.f32 v51, v14;
	v11 =	vadd.f32 v31, v40  }
0x8a: {  	v17 =	vadd.f32 v28, v42;
	v8 =	vadd.f32 v8, v10;
	v10 =	vperm.xlane v59, v0  }
0x8b: {  	v4 =	vld [tilespmem:$0x12100];
	v61 =	vmul.f32 v28, v28;
	v12 =	vadd.f32 v12, v11;
	v11 =	vmul.f32 v27, v27  }
0x8c: {  	v6 =	vld [tilespmem:$0x12120];
	v16 =	vadd.f32 v16, v9;
	v60 =	vperm.xlane v8, v1;
	v10 =	vadd.f32 v10, v59  }
0x8d: {  	v61 =	vadd.f32 v61, v52;
	v52 =	vmul.f32 v13, v15;
	v11 =	vadd.f32 v11, v62  }
0x8e: {  	v13 =	vadd.f32 v53, v17;
	v47 =	vadd.f32 v8, v60;
	v63 =	vperm.xlane v10, v1;
	v60 =	vld [tilespmem:$0x12180]  }
0x8f: {  	v45 =	vmul.f32 v45, v46;
	v14 =	vadd.f32 v16, v14;
	v16 =	vadd.f32 v11, v61  }
0x90: {  	v48 =	vmul.f32 v48, v4;
	v62 =	vadd.f32 v13, v12;
	v13 =	vld [tilespmem:$0x12150];
	v15 =	vadd.f32 v63, v10  }
0x91: {  	v7 =	vmul.f32 v49, v6;
	v12 =	vld [tilespmem:$0x12190];
	v17 =	vperm.xlane v47, v2;
	v16 =	vadd.f32 v16, v14  }
0x92: {  	v45 =	vsub.f32 $1.500000000e+00, v45;
	v11 =	vld [tilespmem:$0x12140];
	v58 =	vperm.xlane v62, v0;
	v63 =	vperm.xlane v15, v2  }
0x93: {  	v10 =	vld [tilespmem:$0x12130];
	v17 =	vadd.f32 v47, v17;
	[tilespmem:$0x1FFD0] =	vst v60;
	v53 =	vadd.f32 v48, v60;
	v60 =	vperm.xlane v16, v0  }
0x94: {  	v45 =	vmul.f32 v45, v46;
	v49 =	vadd.f32 v62, v58;
	v47 =	vadd.f32 v63, v15;
	v15 =	vld [tilespmem:$0x121A0]  }
0x95: {  	v44 =	vmul.f32 v44, v13;
	v59 =	vperm.xlane v17, v3;
	v55 =	vadd.f32 v60, v16;
	v16 =	vld [tilespmem:$0x121B0]  }
0x96: {  	v56 =	vadd.f32 v32, v12;
	v58 =	vperm.xlane v49, v1;
	v62 =	vperm.xlane v47, v3  }
0x97: {  	v57 =	vmul.f32 v57, v11;
	v61 =	vadd.f32 v17, v59;
	v63 =	vperm.xlane v55, v1  }
0x98: {  	v14 =	vld [tilespmem:$0x12160];
	v49 =	vadd.f32 v49, v58;
	v50 =	vmul.f32 v50, v10;
	v47 =	vadd.f32 v62, v47  }
0x99: {  	v32 =	vmul.f32 $7.812500000e-03, v61;
	v51 =	vadd.f32 v63, v55;
	v58 =	vadd.f32 v7, v15  }
0x9a: {  	v7 =	vperm.xlane v49, v2;
	v47 =	vmul.f32 $7.812500000e-03, v47;
	v59 =	vadd.f32 v50, v16  }
0x9b: {  	[tilespmem:$0x1FFE0] =	vst v6;
	v6 =	vmul.f32 v32, v32;
	v34 =	vsub.f32 v34, v32;
	v37 =	vsub.f32 v37, v32  }
0x9c: {  	v48 =	vmul.f32 v45, v19;
	v38 =	vsub.f32 v38, v32;
	v46 =	vadd.f32 v49, v7  }
0x9d: {  	v60 =	vmul.f32 v52, v14;
	v35 =	vsub.f32 v35, v32;
	v47 =	vsub.f32 v47, v6  }
0x9e: {  	v17 =	vld [tilespmem:$0x121C0];
	v39 =	vsub.f32 v39, v32;
	v55 =	vperm.xlane v51, v2;
	v19 =	vperm.xlane v46, v3  }
0x9f: {  	v61 =	vmul.f32 v45, v18;
	v36 =	vsub.f32 v36, v32;
	v18 =	vadd.f32 $9.999999740e-06, v47  }
0xa0: {  	s21 =	simm.s32 $0x8180;
	[tilespmem:$0x1FFC0] =	vst v5;
	v50 =	vmul.f32 v45, v24;
	v6 =	vadd.f32 v55, v51;
	v46 =	vadd.f32 v46, v19;
	v19 =	vld [tilespmem:$0x121E0]  }
0xa1: {  	v33 =	vsub.f32 v33, v32;
	v7 =	vshra.s32 v18, $0x1;
	v54 =	vmul.f32 $5.000000000e-01, v18;
	v18 =	vld [tilespmem:$0x121D0];
	[tilespmem:s21+$0x70] =	vst v30  }
0xa2: {  	v49 =	vmul.f32 v45, v29;
	v52 =	vperm.xlane v6, v3;
	[tilespmem:s21+$0x0] =	vst v53;
	v62 =	vsub.s32 $0x5F3759DF, v7  }
0xa3: {  	v57 =	vadd.f32 v57, v17;
	v51 =	vmul.f32 v45, v23;
	[tilespmem:s21+$0x10] =	vst v56;
	v55 =	vmul.f32 v62, v54  }
0xa4: {  	[tilespmem:s21+$0x20] =	vst v58;
	v53 =	vmul.f32 v45, v22;
	v47 =	vadd.f32 v52, v6;
	v56 =	vmul.f32 $7.812500000e-03, v46  }
0xa5: {  	[tilespmem:s21+$0x30] =	vst v59;
	v52 =	vmul.f32 v45, v25;
	v24 =	vmul.f32 v62, v55;
	v63 =	vadd.f32 v60, v19  }
0xa6: {  	[tilespmem:s21+$0x40] =	vst v57;
	v29 =	vmul.f32 v56, v56;
	v25 =	vsub.f32 v40, v56;
	v22 =	vadd.f32 v44, v18  }
0xa7: {  	v30 =	vmul.f32 $7.812500000e-03, v47;
	v55 =	vmul.f32 v45, v21;
	v21 =	vsub.f32 $1.500000000e+00, v24;
	[tilespmem:s21+$0x60] =	vst v63  }
0xa8: {  	v23 =	vsub.f32 v43, v56;
	v40 =	vmul.f32 v61, v4;
	v24 =	vsub.f32 v31, v56;
	[tilespmem:s21+$0x50] =	vst v22  }
0xa9: {  	s23 =	simm.s32 $0x2;
	s24 =	simm.s32 $0x380;
	s22 =	simm.s32 $0x8180;
	v22 =	vsub.f32 v41, v56;
	v45 =	vmul.f32 v62, v21;
	v21 =	vsub.f32 v42, v56;
	[tilespmem:$0x1FFF0] =	vst v4  }
.LBB2_2:
0xaa: {  	v5 =	vld [tilespmem:$0x1FFC0]  }
0xab: {  	v6 =	vld [tilespmem:$0x1FFE0]  }
0xac: {  	v7 =	vld [tilespmem:$0x1FFD0]  }
0xad: {  	v41 =	vld [tilespmem:s24+$0x0];
	v31 =	vsub.f32 v28, v56;
	v42 =	vsub.f32 v30, v29;
	v28 =	vmul.f32 v45, v54  }
0xae: {  	v4 =	vld [tilespmem:$0x1FFA0]  }
0xaf: {  	v43 =	vld [tilespmem:s24+$0x10];
	v47 =	vmul.f32 v49, v10;
	v42 =	vadd.f32 $9.999999740e-06, v42;
	v28 =	vmul.f32 v28, v45  }
0xb0: {  	v46 =	vld [tilespmem:s24+$0x30];
	v30 =	vsub.f32 v26, v56;
	v26 =	vmul.f32 v48, v5;
	v44 =	vmul.f32 v50, v6  }
0xb1: {  	v49 =	vld [tilespmem:s24+$0x40];
	v40 =	vadd.f32 v40, v7;
	v61 =	vshra.s32 v42, $0x1;
	v42 =	vmul.f32 $5.000000000e-01, v42  }
0xb2: {  	v9 =	vld [tilespmem:$0x1FFF0];
	v48 =	vmul.f32 v55, v11;
	v28 =	vsub.f32 $1.500000000e+00, v28;
	v50 =	vsub.s32 $0x5F3759DF, v61  }
0xb3: {  	v29 =	vsub.f32 v27, v56;
	v27 =	vld [tilespmem:s24+$0x20];
	v60 =	vmul.f32 v51, v4;
	v62 =	vmul.f32 v50, v42  }
0xb4: {  	v20 =	vsub.f32 v20, v32;
	v54 =	vld [tilespmem:s24+$0x50];
	[tilespmem:s21+$0xFFFFFF80] =	vst v40;
	v40 =	vmul.f32 v52, v13;
	v28 =	vmul.f32 v28, v45  }
0xb5: {  	s20 =	sadd.s32 $0x40, s20;
	v47 =	vadd.f32 v47, v16;
	v52 =	vmul.f32 v53, v14;
	v53 =	vld [tilespmem:s24+$0x60];
	v55 =	vmul.f32 v50, v62  }
0xb6: {  	s25 =	sand.u32 $0x1F80, s20;
	v45 =	vld [tilespmem:s24+$0x70];
	v26 =	vadd.f32 v26, v12;
	v20 =	vmul.f32 v28, v20;
	v34 =	vmul.f32 v28, v34  }
0xb7: {  	v63 =	vadd.f32 v44, v15;
	v56 =	vld [tilespmem:s25+$0x10110];
	v37 =	vmul.f32 v28, v37;
	v38 =	vmul.f32 v28, v38  }
0xb8: {  	v51 =	vld [tilespmem:s25+$0x10100];
	[tilespmem:s21+$0xFFFFFF90] =	vst v26;
	v26 =	vadd.f32 v48, v17;
	v35 =	vmul.f32 v28, v35;
	v39 =	vmul.f32 v28, v39  }
0xb9: {  	v36 =	vmul.f32 v28, v36;
	v61 =	vsub.f32 $1.500000000e+00, v55;
	v20 =	vmul.f32 v20, v4;
	v4 =	vld [tilespmem:$0x1FFB0]  }
0xba: {  	v40 =	vadd.f32 v40, v18;
	v28 =	vmul.f32 v28, v33;
	v57 =	vld [tilespmem:s25+$0x10120];
	[tilespmem:s21+$0xFFFFFFA0] =	vst v63;
	v34 =	vmul.f32 v34, v9  }
0xbb: {  	s28 =	sor.u32 $0x40, s20;
	v62 =	vadd.f32 v52, v19;
	v55 =	vld [tilespmem:s25+$0x10130];
	[tilespmem:s21+$0xFFFFFFB0] =	vst v47;
	v48 =	vmul.f32 v35, v10;
	v32 =	vmul.f32 v50, v61  }
0xbc: {  	s29 =	sor.u32 $0x50, s20;
	v37 =	vmul.f32 v37, v5;
	v58 =	vmul.f32 v38, v6;
	v47 =	vld [tilespmem:s28+$0x10100];
	[tilespmem:s21+$0xFFFFFFC0] =	vst v26;
	v35 =	vadd.f32 v43, v56  }
0xbd: {  	s30 =	sor.u32 $0x60, s20;
	v26 =	vld [tilespmem:s29+$0x10100];
	[tilespmem:s22+$0xFFFFFFD0] =	vst v40;
	v48 =	vadd.f32 v48, v16;
	v63 =	vmul.f32 v32, v42;
	v42 =	vadd.f32 v34, v7  }
0xbe: {  	s31 =	sor.u32 $0x70, s20;
	v40 =	vmul.f32 v36, v13;
	v50 =	vld [tilespmem:s30+$0x10100];
	v7 =	vadd.f32 v37, v12;
	v20 =	vadd.f32 v20, v4  }
0xbf: {  	s21 =	sadd.s32 $0x100, s21;
	v52 =	vld [tilespmem:s31+$0x10100];
	[tilespmem:s22+$0xFFFFFFE0] =	vst v62;
	v37 =	vmul.f32 v39, v11;
	v34 =	vadd.f32 v41, v51;
	v38 =	vadd.f32 v27, v57  }
0xc0: {  	v44 =	vld [tilespmem:s24+$0xFFFFFF90];
	v41 =	vmul.f32 v28, v14;
	v43 =	vadd.f32 v46, v55;
	[tilespmem:s21+$0x70] =	vst v20;
	v20 =	vadd.f32 v60, v4  }
0xc1: {  	v59 =	vmul.f32 v63, v32;
	v39 =	vadd.f32 v49, v47;
	v63 =	vmul.f32 v35, v35  }
0xc2: {  	v36 =	vadd.f32 v54, v26;
	v46 =	vadd.f32 v43, v38;
	v4 =	vmul.f32 v38, v38;
	[tilespmem:s22+$0xFFFFFFF0] =	vst v20  }
0xc3: {  	[tilespmem:s21+$0x10] =	vst v7;
	v7 =	vmul.f32 v43, v43;
	v33 =	vadd.f32 v53, v50;
	v53 =	vmul.f32 v34, v34;
	v60 =	vld [tilespmem:s24+$0xFFFFFFA0]  }
0xc4: {  	v8 =	vmul.f32 v39, v39;
	v20 =	vadd.f32 v45, v52;
	v45 =	vadd.f32 v35, v34;
	v61 =	vld [tilespmem:s24+$0xFFFFFFB0]  }
0xc5: {  	[tilespmem:s21+$0x0] =	vst v42;
	v62 =	vadd.f32 v36, v39;
	v42 =	vadd.f32 v56, v44;
	v44 =	vmul.f32 v36, v36;
	v5 =	vld [tilespmem:s24+$0xFFFFFF80]  }
0xc6: {  	v4 =	vadd.f32 v7, v4;
	v27 =	vld [tilespmem:s24+$0xFFFFFFC0];
	v56 =	vmul.f32 v33, v33;
	v6 =	vadd.f32 v20, v33  }
0xc7: {  	v28 =	vld [tilespmem:s24+$0xFFFFFFD0];
	v53 =	vadd.f32 v63, v53;
	v46 =	vadd.f32 v46, v45;
	v45 =	vmul.f32 v20, v20  }
0xc8: {  	v49 =	vld [tilespmem:s24+$0xFFFFFFE0];
	v63 =	vadd.f32 v44, v8;
	v6 =	vadd.f32 v6, v62  }
0xc9: {  	v54 =	vld [tilespmem:s24+$0xFFFFFFF0];
	v4 =	vadd.f32 v4, v53;
	v8 =	vadd.f32 v45, v56  }
0xca: {  	v45 =	vadd.f32 v51, v5;
	v5 =	vadd.f32 v6, v46  }
0xcb: {  	v56 =	vadd.f32 v8, v63;
	v46 =	vadd.f32 v57, v60  }
0xcc: {  	v44 =	vadd.f32 v55, v61;
	v47 =	vadd.f32 v47, v27  }
0xcd: {  	v62 =	vmul.f32 v42, v42;
	v28 =	vadd.f32 v26, v28;
	v26 =	vadd.f32 v50, v49  }
0xce: {  	v27 =	vadd.f32 v52, v54;
	v4 =	vadd.f32 v56, v4;
	v60 =	vperm.xlane v5, v0  }
0xcf: {  	v7 =	vmul.f32 v45, v45;
	v8 =	vmul.f32 v46, v46;
	v49 =	vadd.f32 v42, v45  }
0xd0: {  	v50 =	vadd.f32 v44, v46;
	v5 =	vadd.f32 v5, v60;
	v61 =	vperm.xlane v4, v0  }
0xd1: {  	v51 =	vmul.f32 v44, v44;
	v52 =	vadd.f32 v28, v47;
	v54 =	vmul.f32 v47, v47  }
0xd2: {  	v56 =	vmul.f32 v26, v26;
	v63 =	vperm.xlane v5, v1;
	v4 =	vadd.f32 v61, v4  }
0xd3: {  	v57 =	vmul.f32 v27, v27;
	v60 =	vadd.f32 v27, v26;
	v49 =	vadd.f32 v50, v49  }
0xd4: {  	v7 =	vadd.f32 v62, v7;
	v5 =	vadd.f32 v5, v63;
	v63 =	vperm.xlane v4, v1  }
0xd5: {  	v8 =	vadd.f32 v51, v8;
	v50 =	vadd.f32 v57, v56;
	v61 =	vmul.f32 v28, v28  }
0xd6: {  	v6 =	vadd.f32 v60, v52;
	v60 =	vperm.xlane v5, v2;
	v4 =	vadd.f32 v63, v4  }
0xd7: {  	v57 =	vsub.f32 $1.500000000e+00, v59;
	v61 =	vadd.f32 v61, v54  }
0xd8: {  	v6 =	vadd.f32 v6, v49;
	v5 =	vadd.f32 v5, v60;
	v62 =	vperm.xlane v4, v2  }
0xd9: {  	v7 =	vadd.f32 v8, v7;
	v51 =	vmul.f32 v57, v32;
	v8 =	vadd.f32 v50, v61  }
0xda: {  	v56 =	vperm.xlane v6, v0;
	v63 =	vperm.xlane v5, v3;
	v4 =	vadd.f32 v62, v4  }
0xdb: {  	[tilespmem:s21+$0x30] =	vst v48;
	v48 =	vmul.f32 v51, v24;
	v7 =	vadd.f32 v8, v7  }
0xdc: {  	v6 =	vadd.f32 v6, v56;
	v5 =	vadd.f32 v5, v63;
	v8 =	vperm.xlane v4, v3  }
0xdd: {  	v58 =	vadd.f32 v58, v15;
	v49 =	vmul.f32 v51, v22;
	v59 =	vperm.xlane v7, v0  }
0xde: {  	v32 =	vmul.f32 $7.812500000e-03, v5;
	v4 =	vadd.f32 v8, v4;
	v5 =	vperm.xlane v6, v1  }
0xdf: {  	v55 =	vmul.f32 v51, v21;
	v52 =	vmul.f32 v51, v31;
	v7 =	vadd.f32 v59, v7  }
0xe0: {  	v4 =	vmul.f32 $7.812500000e-03, v4;
	v60 =	vmul.f32 v32, v32;
	v5 =	vadd.f32 v6, v5  }
0xe1: {  	v21 =	vadd.f32 v40, v18;
	v53 =	vmul.f32 v51, v30;
	v61 =	vperm.xlane v7, v1  }
0xe2: {  	v50 =	vmul.f32 v51, v23;
	v4 =	vsub.f32 v4, v60;
	v24 =	vperm.xlane v5, v2  }
0xe3: {  	v8 =	vmul.f32 v51, v25;
	v25 =	vadd.f32 v37, v17;
	v6 =	vadd.f32 v61, v7  }
0xe4: {  	v51 =	vmul.f32 v51, v29;
	v4 =	vadd.f32 $9.999999740e-06, v4;
	v5 =	vadd.f32 v5, v24  }
0xe5: {  	v34 =	vsub.f32 v34, v32;
	v37 =	vsub.f32 v35, v32;
	v7 =	vperm.xlane v6, v2  }
0xe6: {  	v22 =	vshra.s32 v4, $0x1;
	v54 =	vmul.f32 $5.000000000e-01, v4;
	v4 =	vperm.xlane v5, v3  }
0xe7: {  	v38 =	vsub.f32 v38, v32;
	v6 =	vadd.f32 v7, v6;
	v22 =	vsub.s32 $0x5F3759DF, v22  }
0xe8: {  	s23 =	sadd.s32 $0x2, s23;
	v35 =	vsub.f32 v43, v32;
	v62 =	vmul.f32 v22, v54;
	v4 =	vadd.f32 v5, v4  }
0xe9: {  	p0 =	slt.u32 s23, $0xFE;
	v39 =	vsub.f32 v39, v32;
	v36 =	vsub.f32 v36, v32;
	v5 =	vperm.xlane v6, v3  }
.Ltmp0:
0xea: {  	v33 =	vsub.f32 v33, v32;
	v7 =	vmul.f32 v22, v62;
	v56 =	vmul.f32 $7.812500000e-03, v4;
	(pc) =	sbr.rel @p0 .LBB2_2-.Ltmp0, $4  }
0xeb: {  	[tilespmem:s21+$0x20] =	vst v58;
	v40 =	vmul.f32 v8, v9;
	v4 =	vadd.f32 v41, v19;
	v5 =	vadd.f32 v5, v6  }
0xec: {  	[tilespmem:s21+$0x40] =	vst v25;
	v63 =	vsub.f32 $1.500000000e+00, v7;
	v29 =	vmul.f32 v56, v56;
	v25 =	vsub.f32 v45, v56  }
0xed: {  	[tilespmem:s21+$0x50] =	vst v21;
	v24 =	vsub.f32 v42, v56;
	v30 =	vmul.f32 $7.812500000e-03, v5;
	v23 =	vsub.f32 v46, v56  }
0xee: {  	s22 =	smov.u32 s21;
	s24 =	sadd.s32 $0x100, s24;
	[tilespmem:s21+$0x60] =	vst v4;
	v21 =	vsub.f32 v47, v56;
	v45 =	vmul.f32 v22, v63;
	v22 =	vsub.f32 v44, v56  }
0xef: {  	v4 =	vsub.f32 v30, v29;
	_ =	sdelay $0x1  }
0xf0: {  	v4 =	vadd.f32 $9.999999740e-06, v4  }
0xf1: {  	v43 =	vld [tilespmem:$0x1FFC0];
	v5 =	vmul.f32 v45, v54  }
0xf2: {  	v7 =	vsub.f32 v28, v56;
	v46 =	vld [tilespmem:$0x1FFD0];
	v6 =	vshra.s32 v4, $0x1;
	v4 =	vmul.f32 $5.000000000e-01, v4  }
0xf3: {  	v26 =	vsub.f32 v26, v56;
	v44 =	vld [tilespmem:$0x1FFE0];
	v5 =	vmul.f32 v5, v45;
	v6 =	vsub.s32 $0x5F3759DF, v6  }
0xf4: {  	v27 =	vsub.f32 v27, v56;
	v31 =	vmul.f32 v49, v10;
	v8 =	vmul.f32 v6, v4  }
0xf5: {  	v57 =	vmul.f32 v55, v11;
	v58 =	vmul.f32 v52, v13;
	v5 =	vsub.f32 $1.500000000e+00, v5  }
0xf6: {  	v20 =	vsub.f32 v20, v32;
	v41 =	vmul.f32 v53, v14;
	v8 =	vmul.f32 v6, v8  }
0xf7: {  	v48 =	vmul.f32 v48, v43;
	v56 =	vadd.f32 v40, v46;
	v5 =	vmul.f32 v5, v45  }
0xf8: {  	v60 =	vadd.f32 v31, v16;
	v54 =	vmul.f32 v50, v44;
	v8 =	vsub.f32 $1.500000000e+00, v8  }
0xf9: {  	v28 =	vadd.f32 v48, v12;
	[tilespmem:s21+$0xFFFFFF80] =	vst v56;
	v20 =	vmul.f32 v5, v20;
	v61 =	vmul.f32 v5, v34  }
0xfa: {  	v29 =	vadd.f32 v54, v15;
	v42 =	vld [tilespmem:$0x1FFA0];
	[tilespmem:s21+$0xFFFFFFB0] =	vst v60;
	v63 =	vmul.f32 v5, v37;
	v6 =	vmul.f32 v6, v8  }
0xfb: {  	v62 =	vadd.f32 v57, v17;
	[tilespmem:s21+$0xFFFFFF90] =	vst v28;
	v37 =	vmul.f32 v5, v38;
	v40 =	vmul.f32 v5, v35  }
0xfc: {  	[tilespmem:s21+$0xFFFFFFA0] =	vst v29;
	v47 =	vmul.f32 v5, v39;
	v4 =	vmul.f32 v6, v4  }
0xfd: {  	v38 =	vadd.f32 v58, v18;
	v49 =	vmul.f32 v5, v36;
	v45 =	vld [tilespmem:$0x1FFB0];
	[tilespmem:s21+$0xFFFFFFC0] =	vst v62;
	v29 =	vmul.f32 v63, v43  }
0xfe: {  	v48 =	vadd.f32 v41, v19;
	v9 =	vld [tilespmem:$0x1FFF0];
	v34 =	vmul.f32 v37, v44;
	v4 =	vmul.f32 v4, v6  }
0xff: {  	v5 =	vmul.f32 v5, v33;
	[tilespmem:s22+$0xFFFFFFD0] =	vst v38;
	v50 =	vmul.f32 v40, v10;
	v29 =	vadd.f32 v29, v12  }
0x100: {  	s20 =	sadd.s32 $0x100, s21;
	[tilespmem:s22+$0xFFFFFFE0] =	vst v48;
	v20 =	vmul.f32 v20, v42;
	v52 =	vadd.f32 v34, v15;
	v4 =	vsub.f32 $1.500000000e+00, v4  }
0x101: {  	v5 =	vmul.f32 v5, v14;
	v53 =	vadd.f32 v50, v16;
	[tilespmem:s20+$0x10] =	vst v29  }
0x102: {  	v59 =	vmul.f32 v51, v42;
	v20 =	vadd.f32 v20, v45;
	[tilespmem:s20+$0x20] =	vst v52;
	v4 =	vmul.f32 v4, v6  }
0x103: {  	v51 =	vmul.f32 v47, v11;
	v5 =	vadd.f32 v5, v19;
	[tilespmem:s20+$0x30] =	vst v53;
	v31 =	vmul.f32 v61, v9  }
0x104: {  	v8 =	vadd.f32 v59, v45;
	[tilespmem:s20+$0x70] =	vst v20;
	v20 =	vmul.f32 v49, v13;
	v25 =	vmul.f32 v4, v25  }
0x105: {  	[tilespmem:s20+$0x60] =	vst v5;
	v31 =	vadd.f32 v31, v46;
	v54 =	vmul.f32 v4, v24;
	v23 =	vmul.f32 v4, v23  }
0x106: {  	[tilespmem:s22+$0xFFFFFFF0] =	vst v8;
	v20 =	vadd.f32 v20, v18;
	v56 =	vmul.f32 v4, v22;
	v55 =	vmul.f32 v25, v9  }
0x107: {  	[tilespmem:s20+$0x0] =	vst v31;
	v6 =	vadd.f32 v51, v17;
	v21 =	vmul.f32 v4, v21;
	v8 =	vmul.f32 v54, v43  }
0x108: {  	[tilespmem:s20+$0x50] =	vst v20;
	v7 =	vmul.f32 v4, v7;
	v57 =	vmul.f32 v23, v44;
	v9 =	vadd.f32 v55, v46  }
0x109: {  	[tilespmem:s20+$0x40] =	vst v6;
	v59 =	vmul.f32 v4, v26;
	v5 =	vmul.f32 v56, v10;
	v58 =	vadd.f32 v8, v12  }
0x10a: {  	v4 =	vmul.f32 v4, v27;
	v60 =	vmul.f32 v21, v11;
	v61 =	vadd.f32 v57, v15;
	[tilespmem:s20+$0xFFFFFF80] =	vst v9  }
0x10b: {  	v62 =	vmul.f32 v59, v14;
	v5 =	vadd.f32 v5, v16;
	[tilespmem:s20+$0xFFFFFF90] =	vst v58  }
0x10c: {  	v4 =	vmul.f32 v4, v42;
	v63 =	vadd.f32 v60, v17;
	[tilespmem:s20+$0xFFFFFFA0] =	vst v61  }
0x10d: {  	v7 =	vmul.f32 v7, v13;
	v6 =	vadd.f32 v62, v19;
	[tilespmem:s20+$0xFFFFFFB0] =	vst v5  }
0x10e: {  	v4 =	vadd.f32 v4, v45;
	[tilespmem:s20+$0xFFFFFFC0] =	vst v63  }
0x10f: {  	s19 =	sadd.s32 $0x1, s19;
	v5 =	vadd.f32 v7, v18;
	[tilespmem:s20+$0xFFFFFFE0] =	vst v6  }
0x110: {  	p0 =	sne.s32 s19, s9;
	[tilespmem:s20+$0xFFFFFFF0] =	vst v4  }
.Ltmp1:
0x111: {  	[tilespmem:s20+$0xFFFFFFD0] =	vst v5;
	(pc) =	sbr.rel @p0 .LBB2_1-.Ltmp1, $4  }
0x112: {  	[hbm4b:s8+s5] =	stream.linear.scatter [tilespmem:s18], [sflag:$0x2], $0x8000, $0x38;
	[tilespmem:$0x12200] =	vst v63  }
0x113: {  	_ =	swait.ge [sflag:s10], $0x8000  }
0x114: {  	[sflag:s10] =	ssyncset.done $0x0  }
0x115: {  	[sflag:s10] =	ssyncadd.s32 $0xFFFF8000  }
0x116: {  	_ =	sfence.sel $0x180000  }
0x117: {  	[bflag:$0x0] =	sbarrier.arrive $0xFFFF  }
0x118: {  	p0 =	sne.s32 s4, $0x0;
	_ =	strace $0x90000047  }
0x119: {  	s0 =	sadd.s32 @!p0 $0x100000, s2;
	[bflag:$0x2] =	sbarrier.arrive $0xFFFF  }
0x11a: {  	[sflag:s0] =	ssyncadd.tile.s32 @!p0 $0x1;
	_ =	shalt  }
.Lfunc_end2:
_tile_overlayer_lowered:
.L_overlay_start_2:
0x11b: {  	(tag) =	ssettag $0x2  }
0x11c: {  	s0 =	rddreg [dreg:$0x0];
	s2 =	stileid.u32  }
0x11d: {  	s1 =	rddreg [dreg:$0x1];
	p0 =	sne.s32 s2, $0x0  }
0x11e: {  	s3 =	rddreg [dreg:$0x2];
	[bflag:$0x3] =	sbarrier.arrive $0xFFFF;
	s2 =	simm.s32 @!p0 $0x1C02  }
0x11f: {  	[timem:s3], [sflag:s2] =	dma.local @!p0 [hbm:s0], s1  }
0x120: {  	s0 =	simm.s32 @!p0 $0x2  }
0x121: {  	_ =	swait.ge @!p0 [sflag:s0], s1  }
0x122: {  	s1 =	ssub.s32 @!p0 $0x0, s1;
	[sflag:s0] =	ssyncset.done @!p0 $0x0  }
0x123: {  	[sflag:s0] =	ssyncadd.s32 @!p0 s1  }
0x124: {  	[bflag:$0x3] =	sbarrier.arrive $0xFFFF  }
0x125: {  	_ =	shalt  }

</sc_bundles>
